<compile_context>
chip_gen: v7x
topology: tpu7x:2x2x1
jax: 0.10.2.dev20260603
libtpu: 0.0.44.dev20260713+nightly
codegen_flags: <defaults>
</compile_context>

<pallas_src>
import math

import jax
import jax.numpy as jnp
import numpy as np
from jax import lax
from jax.experimental import pallas as pl
from jax.experimental.pallas import tpu as pltpu
from jax.experimental.pallas import tpu_sc as plsc

_NUM_VIEWS = 24
_NUM_INPUT = 16
_NUM_TARGET = 8

_NC = 2
_NS = 16
_NW_ACTIVE = 32


def _split_indices(total_views, num_input_views, num_target_views):
    g = math.gcd(num_input_views, num_target_views)
    group_size = total_views // g
    in_per_group = num_input_views // g
    tar_per_group = num_target_views // g
    input_indices = []
    target_indices = []
    for group_idx in range(g):
        start = group_idx * group_size
        block = list(range(start, start + group_size))
        input_indices.extend(block[:in_per_group])
        target_indices.extend(block[in_per_group:in_per_group + tar_per_group])
    input_indices = np.sort(np.array(input_indices, dtype=np.int32))
    target_indices = np.sort(np.array(target_indices, dtype=np.int32))
    return input_indices, target_indices


def _tc_copy(src_ref, dst_ref):
    dst_ref[...] = src_ref[...]


def _sc_target_copy(n_chunks, src_hbm, tar_hbm, buf0, buf1, ls0, ls1, ss0, ss1):
    c = lax.axis_index("c")
    s = lax.axis_index("s")
    wid = s * _NC + c
    base = wid * n_chunks
    bufs = (buf0, buf1)
    lsems = (ls0, ls1)
    ssems = (ss0, ss1)
    active = wid < _NW_ACTIVE

    def mk(i):
        k = base + i
        src_row = 18 * (k // 6) + 12 + k % 6
        ld = pltpu.make_async_copy(
            src_hbm.at[pl.ds(src_row, 1)], bufs[i % 2], lsems[i % 2])
        st = pltpu.make_async_copy(
            bufs[i % 2], tar_hbm.at[pl.ds(k, 1)], ssems[i % 2])
        return ld, st

    @pl.when(active)
    def _():
        ops = [mk(i) for i in range(n_chunks)]
        ops[0][0].start()
        for i in range(n_chunks):
            ld, st = ops[i]
            ld.wait()
            st.start()
            if i + 1 < n_chunks:
                if i >= 1:
                    ops[i - 1][1].wait()
                ops[i + 1][0].start()
        if n_chunks >= 2:
            ops[n_chunks - 2][1].wait()
        ops[n_chunks - 1][1].wait()


def kernel(image):
    B, V, C, H, W = image.shape
    G = V // 3
    rows = B * G
    CH = C * H
    groups = image.reshape(rows, 3 * CH, W)

    gpb = 8
    input_flat = pl.pallas_call(
        _tc_copy,
        grid=(rows // gpb,),
        in_specs=[pl.BlockSpec((gpb, 2 * CH, W), lambda r: (r, 0, 0))],
        out_specs=pl.BlockSpec((gpb, 2 * CH, W), lambda r: (r, 0, 0)),
        out_shape=jax.ShapeDtypeStruct((rows, 2 * CH, W), image.dtype),
        compiler_params=pltpu.CompilerParams(vmem_limit_bytes=56623104),
    )(groups)

    chunks = image.reshape(B * V * C * 2, H // 2, W)
    n_tar_chunks = B * G * C * 2
    n_chunks = n_tar_chunks // _NW_ACTIVE
    mesh = plsc.VectorSubcoreMesh(core_axis_name="c", subcore_axis_name="s")
    target_flat = pl.kernel(
        lambda *refs: _sc_target_copy(n_chunks, *refs),
        out_type=jax.ShapeDtypeStruct((n_tar_chunks, H // 2, W), image.dtype),
        mesh=mesh,
        compiler_params=pltpu.CompilerParams(use_tc_tiling_on_sc=True),
        scratch_types=[
            pltpu.VMEM((1, H // 2, W), jnp.float32),
            pltpu.VMEM((1, H // 2, W), jnp.float32),
            pltpu.SemaphoreType.DMA,
            pltpu.SemaphoreType.DMA,
            pltpu.SemaphoreType.DMA,
            pltpu.SemaphoreType.DMA,
        ],
    )(chunks)

    input_image = input_flat.reshape(B, 2 * G, C, H, W)
    target_image = target_flat.reshape(B, G, C, H, W)

    ii, ti = _split_indices(_NUM_VIEWS, _NUM_INPUT, _NUM_TARGET)
    input_pattern = jnp.tile(jnp.asarray(ii)[None, :], (B, 1))
    target_pattern = jnp.tile(jnp.asarray(ti)[None, :], (B, 1))
    return (input_image, target_image, input_pattern, target_pattern)

# --- scband reference (transcript-rebuilt; emitter-appended) ---
"""Pipeline reference for scband-split-data-7602092114391 (READ-ONLY COPY).

The authoritative reference and input builder live on the scoring server;
editing this copy changes nothing except your own understanding.
"""

import jax, jax.numpy as jnp
import numpy as np
import math

NUM_VIEWS = 24
NUM_INPUT = 16
NUM_TARGET = 8


def _build_indices(total_views, num_input_views, num_target_views):
    g = math.gcd(num_input_views, num_target_views)
    group_size = total_views // g
    in_per_group = num_input_views // g
    tar_per_group = num_target_views // g
    input_indices = []
    target_indices = []
    for group_idx in range(g):
        start = group_idx * group_size
        block = list(range(start, start + group_size))
        input_indices.extend(block[:in_per_group])
        target_indices.extend(block[in_per_group:in_per_group + tar_per_group])
    input_indices = np.sort(np.array(input_indices, dtype=np.int64))
    target_indices = np.sort(np.array(target_indices, dtype=np.int64))
    return input_indices, target_indices


def setup_inputs(seed: int = 0) -> dict:
    key = jax.random.key(seed)
    image = jax.random.normal(key, (8, NUM_VIEWS, 3, 256, 256), dtype=jnp.float32)
    return {"image": image}


def reference(image):
    # Deterministic (random_index=False) path of SplitData.forward for a
    # data_batch containing a single 'image' tensor of shape [B, V, C, H, W].
    ii, ti = _build_indices(NUM_VIEWS, NUM_INPUT, NUM_TARGET)
    B = image.shape[0]
    input_pattern = jnp.tile(jnp.asarray(ii)[None, :], (B, 1))
    target_pattern = jnp.tile(jnp.asarray(ti)[None, :], (B, 1))
    batch_idx = jnp.arange(B)[:, None]
    # advanced-indexing gather along the view dimension (dim 1)
    input_image = image[batch_idx, input_pattern]
    target_image = image[batch_idx, target_pattern]
    return (input_image, target_image, input_pattern, target_pattern)

if __name__ == "__main__":
    import jax
    _d = setup_inputs()
    print(jax.jit(kernel)(*tuple(_d.values())))

</pallas_src>

<mosaic_0001>
#map = affine_map<(d0, d1) -> (0, 0, 0)>
module attributes {stable_mosaic.version = 14 : i64} {
  func.func @_lambda_(%arg0: i32, %arg1: i32, %arg2: memref<1152x128x256xf32, #tpu.memory_space<hbm>>, %arg3: memref<384x128x256xf32, #tpu.memory_space<hbm>>, %arg4: memref<1x128x256xf32, #tpu.memory_space<vmem>>, %arg5: memref<1x128x256xf32, #tpu.memory_space<vmem>>, %arg6: memref<!tpu.dma_semaphore, #tpu.memory_space<semaphore_mem>>, %arg7: memref<!tpu.dma_semaphore, #tpu.memory_space<semaphore_mem>>, %arg8: memref<!tpu.dma_semaphore, #tpu.memory_space<semaphore_mem>>, %arg9: memref<!tpu.dma_semaphore, #tpu.memory_space<semaphore_mem>>) attributes {dimension_semantics = [#tpu.dimension_semantics<core_parallel>, #tpu.dimension_semantics<subcore_parallel>], iteration_bounds = array<i64: 2, 16>, scalar_prefetch = 0 : i64, scratch_operands = 6 : i64, tpu.core_type = #tpu.core_type<sc_vector_subcore>, window_params = [{transform_indices = #map}, {transform_indices = #map}]} {
    %mul3A = arith.constant 2 : i32
    %mul3A_0 = arith.muli %arg1, %mul3A : i32
    %add3A = arith.addi %mul3A_0, %arg0 : i32
    %mul3A_1 = arith.constant 12 : i32
    %mul3A_2 = arith.muli %add3A, %mul3A_1 : i32
    %lt3A = arith.constant 32 : i32
    %lt3A_3 = arith.cmpi slt, %add3A, %lt3A : i32
    %convert_element_type3A = arith.extui %lt3A_3 : i1 to i32
    %cond3A = arith.constant 0 : i32
    %cond3A_4 = arith.cmpi ne, %convert_element_type3A, %cond3A : i32
    scf.if %cond3A_4 {
      %add3A_5 = arith.constant 0 : i32
      %add3A_6 = arith.addi %mul3A_2, %add3A_5 : i32
      %jit3A = arith.constant 6 : i32
      %div3A = arith.divsi %add3A_6, %jit3A : i32
      %sign3A = arith.constant 0 : i32
      %sign3A_7 = arith.cmpi sgt, %add3A_6, %sign3A : i32
      %sign3A_8 = arith.extui %sign3A_7 : i1 to i32
      %sign3A_9 = arith.constant 0 : i32
      %sign3A_10 = arith.cmpi slt, %add3A_6, %sign3A_9 : i32
      %sign3A_11 = arith.extui %sign3A_10 : i1 to i32
      %sign3A_12 = arith.subi %sign3A_8, %sign3A_11 : i32
      %sign3A_13 = arith.constant 0 : i32
      %sign3A_14 = arith.cmpi sgt, %jit3A, %sign3A_13 : i32
      %sign3A_15 = arith.extui %sign3A_14 : i1 to i32
      %sign3A_16 = arith.constant 0 : i32
      %sign3A_17 = arith.cmpi slt, %jit3A, %sign3A_16 : i32
      %sign3A_18 = arith.extui %sign3A_17 : i1 to i32
      %sign3A_19 = arith.subi %sign3A_15, %sign3A_18 : i32
      %ne3A = arith.cmpi ne, %sign3A_12, %sign3A_19 : i32
      %rem3A = arith.remsi %add3A_6, %jit3A : i32
      %ne3A_20 = arith.constant 0 : i32
      %ne3A_21 = arith.cmpi ne, %rem3A, %ne3A_20 : i32
      %and3A = arith.andi %ne3A, %ne3A_21 : i1
      %sub3A = arith.constant 1 : i32
      %sub3A_22 = arith.subi %div3A, %sub3A : i32
      %select_n3A = arith.select %and3A, %sub3A_22, %div3A : i32
      %mul3A_23 = arith.constant 18 : i32
      %mul3A_24 = arith.muli %mul3A_23, %select_n3A : i32
      %add3A_25 = arith.constant 12 : i32
      %add3A_26 = arith.addi %mul3A_24, %add3A_25 : i32
      %jit3A_27 = arith.constant 6 : i32
      %eq3A = arith.constant 0 : i32
      %eq3A_28 = arith.cmpi eq, %jit3A_27, %eq3A : i32
      %jit3A_29 = arith.constant 1 : i32
      %select_n3A_30 = arith.select %eq3A_28, %jit3A_29, %jit3A_27 : i32
      %rem3A_31 = arith.remsi %add3A_6, %select_n3A_30 : i32
      %ne3A_32 = arith.constant 0 : i32
      %ne3A_33 = arith.cmpi ne, %rem3A_31, %ne3A_32 : i32
      %lt3A_34 = arith.constant 0 : i32
      %lt3A_35 = arith.cmpi slt, %rem3A_31, %lt3A_34 : i32
      %lt3A_36 = arith.constant 0 : i32
      %lt3A_37 = arith.cmpi slt, %select_n3A_30, %lt3A_36 : i32
      %ne3A_38 = arith.xori %lt3A_35, %lt3A_37 : i1
      %and3A_39 = arith.andi %ne3A_38, %ne3A_33 : i1
      %add3A_40 = arith.addi %rem3A_31, %select_n3A_30 : i32
      %select_n3A_41 = arith.select %and3A_39, %add3A_40, %rem3A_31 : i32
      %add3A_42 = arith.addi %add3A_26, %select_n3A_41 : i32
      %add3A_43 = arith.constant 1 : i32
      %add3A_44 = arith.addi %mul3A_2, %add3A_43 : i32
      %jit3A_45 = arith.constant 6 : i32
      %div3A_46 = arith.divsi %add3A_44, %jit3A_45 : i32
      %sign3A_47 = arith.constant 0 : i32
      %sign3A_48 = arith.cmpi sgt, %add3A_44, %sign3A_47 : i32
      %sign3A_49 = arith.extui %sign3A_48 : i1 to i32
      %sign3A_50 = arith.constant 0 : i32
      %sign3A_51 = arith.cmpi slt, %add3A_44, %sign3A_50 : i32
      %sign3A_52 = arith.extui %sign3A_51 : i1 to i32
      %sign3A_53 = arith.subi %sign3A_49, %sign3A_52 : i32
      %sign3A_54 = arith.constant 0 : i32
      %sign3A_55 = arith.cmpi sgt, %jit3A_45, %sign3A_54 : i32
      %sign3A_56 = arith.extui %sign3A_55 : i1 to i32
      %sign3A_57 = arith.constant 0 : i32
      %sign3A_58 = arith.cmpi slt, %jit3A_45, %sign3A_57 : i32
      %sign3A_59 = arith.extui %sign3A_58 : i1 to i32
      %sign3A_60 = arith.subi %sign3A_56, %sign3A_59 : i32
      %ne3A_61 = arith.cmpi ne, %sign3A_53, %sign3A_60 : i32
      %rem3A_62 = arith.remsi %add3A_44, %jit3A_45 : i32
      %ne3A_63 = arith.constant 0 : i32
      %ne3A_64 = arith.cmpi ne, %rem3A_62, %ne3A_63 : i32
      %and3A_65 = arith.andi %ne3A_61, %ne3A_64 : i1
      %sub3A_66 = arith.constant 1 : i32
      %sub3A_67 = arith.subi %div3A_46, %sub3A_66 : i32
      %select_n3A_68 = arith.select %and3A_65, %sub3A_67, %div3A_46 : i32
      %mul3A_69 = arith.constant 18 : i32
      %mul3A_70 = arith.muli %mul3A_69, %select_n3A_68 : i32
      %add3A_71 = arith.constant 12 : i32
      %add3A_72 = arith.addi %mul3A_70, %add3A_71 : i32
      %jit3A_73 = arith.constant 6 : i32
      %eq3A_74 = arith.constant 0 : i32
      %eq3A_75 = arith.cmpi eq, %jit3A_73, %eq3A_74 : i32
      %jit3A_76 = arith.constant 1 : i32
      %select_n3A_77 = arith.select %eq3A_75, %jit3A_76, %jit3A_73 : i32
      %rem3A_78 = arith.remsi %add3A_44, %select_n3A_77 : i32
      %ne3A_79 = arith.constant 0 : i32
      %ne3A_80 = arith.cmpi ne, %rem3A_78, %ne3A_79 : i32
      %lt3A_81 = arith.constant 0 : i32
      %lt3A_82 = arith.cmpi slt, %rem3A_78, %lt3A_81 : i32
      %lt3A_83 = arith.constant 0 : i32
      %lt3A_84 = arith.cmpi slt, %select_n3A_77, %lt3A_83 : i32
      %ne3A_85 = arith.xori %lt3A_82, %lt3A_84 : i1
      %and3A_86 = arith.andi %ne3A_85, %ne3A_80 : i1
      %add3A_87 = arith.addi %rem3A_78, %select_n3A_77 : i32
      %select_n3A_88 = arith.select %and3A_86, %add3A_87, %rem3A_78 : i32
      %add3A_89 = arith.addi %add3A_72, %select_n3A_88 : i32
      %add3A_90 = arith.constant 2 : i32
      %add3A_91 = arith.addi %mul3A_2, %add3A_90 : i32
      %jit3A_92 = arith.constant 6 : i32
      %div3A_93 = arith.divsi %add3A_91, %jit3A_92 : i32
      %sign3A_94 = arith.constant 0 : i32
      %sign3A_95 = arith.cmpi sgt, %add3A_91, %sign3A_94 : i32
      %sign3A_96 = arith.extui %sign3A_95 : i1 to i32
      %sign3A_97 = arith.constant 0 : i32
      %sign3A_98 = arith.cmpi slt, %add3A_91, %sign3A_97 : i32
      %sign3A_99 = arith.extui %sign3A_98 : i1 to i32
      %sign3A_100 = arith.subi %sign3A_96, %sign3A_99 : i32
      %sign3A_101 = arith.constant 0 : i32
      %sign3A_102 = arith.cmpi sgt, %jit3A_92, %sign3A_101 : i32
      %sign3A_103 = arith.extui %sign3A_102 : i1 to i32
      %sign3A_104 = arith.constant 0 : i32
      %sign3A_105 = arith.cmpi slt, %jit3A_92, %sign3A_104 : i32
      %sign3A_106 = arith.extui %sign3A_105 : i1 to i32
      %sign3A_107 = arith.subi %sign3A_103, %sign3A_106 : i32
      %ne3A_108 = arith.cmpi ne, %sign3A_100, %sign3A_107 : i32
      %rem3A_109 = arith.remsi %add3A_91, %jit3A_92 : i32
      %ne3A_110 = arith.constant 0 : i32
      %ne3A_111 = arith.cmpi ne, %rem3A_109, %ne3A_110 : i32
      %and3A_112 = arith.andi %ne3A_108, %ne3A_111 : i1
      %sub3A_113 = arith.constant 1 : i32
      %sub3A_114 = arith.subi %div3A_93, %sub3A_113 : i32
      %select_n3A_115 = arith.select %and3A_112, %sub3A_114, %div3A_93 : i32
      %mul3A_116 = arith.constant 18 : i32
      %mul3A_117 = arith.muli %mul3A_116, %select_n3A_115 : i32
      %add3A_118 = arith.constant 12 : i32
      %add3A_119 = arith.addi %mul3A_117, %add3A_118 : i32
      %jit3A_120 = arith.constant 6 : i32
      %eq3A_121 = arith.constant 0 : i32
      %eq3A_122 = arith.cmpi eq, %jit3A_120, %eq3A_121 : i32
      %jit3A_123 = arith.constant 1 : i32
      %select_n3A_124 = arith.select %eq3A_122, %jit3A_123, %jit3A_120 : i32
      %rem3A_125 = arith.remsi %add3A_91, %select_n3A_124 : i32
      %ne3A_126 = arith.constant 0 : i32
      %ne3A_127 = arith.cmpi ne, %rem3A_125, %ne3A_126 : i32
      %lt3A_128 = arith.constant 0 : i32
      %lt3A_129 = arith.cmpi slt, %rem3A_125, %lt3A_128 : i32
      %lt3A_130 = arith.constant 0 : i32
      %lt3A_131 = arith.cmpi slt, %select_n3A_124, %lt3A_130 : i32
      %ne3A_132 = arith.xori %lt3A_129, %lt3A_131 : i1
      %and3A_133 = arith.andi %ne3A_132, %ne3A_127 : i1
      %add3A_134 = arith.addi %rem3A_125, %select_n3A_124 : i32
      %select_n3A_135 = arith.select %and3A_133, %add3A_134, %rem3A_125 : i32
      %add3A_136 = arith.addi %add3A_119, %select_n3A_135 : i32
      %add3A_137 = arith.constant 3 : i32
      %add3A_138 = arith.addi %mul3A_2, %add3A_137 : i32
      %jit3A_139 = arith.constant 6 : i32
      %div3A_140 = arith.divsi %add3A_138, %jit3A_139 : i32
      %sign3A_141 = arith.constant 0 : i32
      %sign3A_142 = arith.cmpi sgt, %add3A_138, %sign3A_141 : i32
      %sign3A_143 = arith.extui %sign3A_142 : i1 to i32
      %sign3A_144 = arith.constant 0 : i32
      %sign3A_145 = arith.cmpi slt, %add3A_138, %sign3A_144 : i32
      %sign3A_146 = arith.extui %sign3A_145 : i1 to i32
      %sign3A_147 = arith.subi %sign3A_143, %sign3A_146 : i32
      %sign3A_148 = arith.constant 0 : i32
      %sign3A_149 = arith.cmpi sgt, %jit3A_139, %sign3A_148 : i32
      %sign3A_150 = arith.extui %sign3A_149 : i1 to i32
      %sign3A_151 = arith.constant 0 : i32
      %sign3A_152 = arith.cmpi slt, %jit3A_139, %sign3A_151 : i32
      %sign3A_153 = arith.extui %sign3A_152 : i1 to i32
      %sign3A_154 = arith.subi %sign3A_150, %sign3A_153 : i32
      %ne3A_155 = arith.cmpi ne, %sign3A_147, %sign3A_154 : i32
      %rem3A_156 = arith.remsi %add3A_138, %jit3A_139 : i32
      %ne3A_157 = arith.constant 0 : i32
      %ne3A_158 = arith.cmpi ne, %rem3A_156, %ne3A_157 : i32
      %and3A_159 = arith.andi %ne3A_155, %ne3A_158 : i1
      %sub3A_160 = arith.constant 1 : i32
      %sub3A_161 = arith.subi %div3A_140, %sub3A_160 : i32
      %select_n3A_162 = arith.select %and3A_159, %sub3A_161, %div3A_140 : i32
      %mul3A_163 = arith.constant 18 : i32
      %mul3A_164 = arith.muli %mul3A_163, %select_n3A_162 : i32
      %add3A_165 = arith.constant 12 : i32
      %add3A_166 = arith.addi %mul3A_164, %add3A_165 : i32
      %jit3A_167 = arith.constant 6 : i32
      %eq3A_168 = arith.constant 0 : i32
      %eq3A_169 = arith.cmpi eq, %jit3A_167, %eq3A_168 : i32
      %jit3A_170 = arith.constant 1 : i32
      %select_n3A_171 = arith.select %eq3A_169, %jit3A_170, %jit3A_167 : i32
      %rem3A_172 = arith.remsi %add3A_138, %select_n3A_171 : i32
      %ne3A_173 = arith.constant 0 : i32
      %ne3A_174 = arith.cmpi ne, %rem3A_172, %ne3A_173 : i32
      %lt3A_175 = arith.constant 0 : i32
      %lt3A_176 = arith.cmpi slt, %rem3A_172, %lt3A_175 : i32
      %lt3A_177 = arith.constant 0 : i32
      %lt3A_178 = arith.cmpi slt, %select_n3A_171, %lt3A_177 : i32
      %ne3A_179 = arith.xori %lt3A_176, %lt3A_178 : i1
      %and3A_180 = arith.andi %ne3A_179, %ne3A_174 : i1
      %add3A_181 = arith.addi %rem3A_172, %select_n3A_171 : i32
      %select_n3A_182 = arith.select %and3A_180, %add3A_181, %rem3A_172 : i32
      %add3A_183 = arith.addi %add3A_166, %select_n3A_182 : i32
      %add3A_184 = arith.constant 4 : i32
      %add3A_185 = arith.addi %mul3A_2, %add3A_184 : i32
      %jit3A_186 = arith.constant 6 : i32
      %div3A_187 = arith.divsi %add3A_185, %jit3A_186 : i32
      %sign3A_188 = arith.constant 0 : i32
      %sign3A_189 = arith.cmpi sgt, %add3A_185, %sign3A_188 : i32
      %sign3A_190 = arith.extui %sign3A_189 : i1 to i32
      %sign3A_191 = arith.constant 0 : i32
      %sign3A_192 = arith.cmpi slt, %add3A_185, %sign3A_191 : i32
      %sign3A_193 = arith.extui %sign3A_192 : i1 to i32
      %sign3A_194 = arith.subi %sign3A_190, %sign3A_193 : i32
      %sign3A_195 = arith.constant 0 : i32
      %sign3A_196 = arith.cmpi sgt, %jit3A_186, %sign3A_195 : i32
      %sign3A_197 = arith.extui %sign3A_196 : i1 to i32
      %sign3A_198 = arith.constant 0 : i32
      %sign3A_199 = arith.cmpi slt, %jit3A_186, %sign3A_198 : i32
      %sign3A_200 = arith.extui %sign3A_199 : i1 to i32
      %sign3A_201 = arith.subi %sign3A_197, %sign3A_200 : i32
      %ne3A_202 = arith.cmpi ne, %sign3A_194, %sign3A_201 : i32
      %rem3A_203 = arith.remsi %add3A_185, %jit3A_186 : i32
      %ne3A_204 = arith.constant 0 : i32
      %ne3A_205 = arith.cmpi ne, %rem3A_203, %ne3A_204 : i32
      %and3A_206 = arith.andi %ne3A_202, %ne3A_205 : i1
      %sub3A_207 = arith.constant 1 : i32
      %sub3A_208 = arith.subi %div3A_187, %sub3A_207 : i32
      %select_n3A_209 = arith.select %and3A_206, %sub3A_208, %div3A_187 : i32
      %mul3A_210 = arith.constant 18 : i32
      %mul3A_211 = arith.muli %mul3A_210, %select_n3A_209 : i32
      %add3A_212 = arith.constant 12 : i32
      %add3A_213 = arith.addi %mul3A_211, %add3A_212 : i32
      %jit3A_214 = arith.constant 6 : i32
      %eq3A_215 = arith.constant 0 : i32
      %eq3A_216 = arith.cmpi eq, %jit3A_214, %eq3A_215 : i32
      %jit3A_217 = arith.constant 1 : i32
      %select_n3A_218 = arith.select %eq3A_216, %jit3A_217, %jit3A_214 : i32
      %rem3A_219 = arith.remsi %add3A_185, %select_n3A_218 : i32
      %ne3A_220 = arith.constant 0 : i32
      %ne3A_221 = arith.cmpi ne, %rem3A_219, %ne3A_220 : i32
      %lt3A_222 = arith.constant 0 : i32
      %lt3A_223 = arith.cmpi slt, %rem3A_219, %lt3A_222 : i32
      %lt3A_224 = arith.constant 0 : i32
      %lt3A_225 = arith.cmpi slt, %select_n3A_218, %lt3A_224 : i32
      %ne3A_226 = arith.xori %lt3A_223, %lt3A_225 : i1
      %and3A_227 = arith.andi %ne3A_226, %ne3A_221 : i1
      %add3A_228 = arith.addi %rem3A_219, %select_n3A_218 : i32
      %select_n3A_229 = arith.select %and3A_227, %add3A_228, %rem3A_219 : i32
      %add3A_230 = arith.addi %add3A_213, %select_n3A_229 : i32
      %add3A_231 = arith.constant 5 : i32
      %add3A_232 = arith.addi %mul3A_2, %add3A_231 : i32
      %jit3A_233 = arith.constant 6 : i32
      %div3A_234 = arith.divsi %add3A_232, %jit3A_233 : i32
      %sign3A_235 = arith.constant 0 : i32
      %sign3A_236 = arith.cmpi sgt, %add3A_232, %sign3A_235 : i32
      %sign3A_237 = arith.extui %sign3A_236 : i1 to i32
      %sign3A_238 = arith.constant 0 : i32
      %sign3A_239 = arith.cmpi slt, %add3A_232, %sign3A_238 : i32
      %sign3A_240 = arith.extui %sign3A_239 : i1 to i32
      %sign3A_241 = arith.subi %sign3A_237, %sign3A_240 : i32
      %sign3A_242 = arith.constant 0 : i32
      %sign3A_243 = arith.cmpi sgt, %jit3A_233, %sign3A_242 : i32
      %sign3A_244 = arith.extui %sign3A_243 : i1 to i32
      %sign3A_245 = arith.constant 0 : i32
      %sign3A_246 = arith.cmpi slt, %jit3A_233, %sign3A_245 : i32
      %sign3A_247 = arith.extui %sign3A_246 : i1 to i32
      %sign3A_248 = arith.subi %sign3A_244, %sign3A_247 : i32
      %ne3A_249 = arith.cmpi ne, %sign3A_241, %sign3A_248 : i32
      %rem3A_250 = arith.remsi %add3A_232, %jit3A_233 : i32
      %ne3A_251 = arith.constant 0 : i32
      %ne3A_252 = arith.cmpi ne, %rem3A_250, %ne3A_251 : i32
      %and3A_253 = arith.andi %ne3A_249, %ne3A_252 : i1
      %sub3A_254 = arith.constant 1 : i32
      %sub3A_255 = arith.subi %div3A_234, %sub3A_254 : i32
      %select_n3A_256 = arith.select %and3A_253, %sub3A_255, %div3A_234 : i32
      %mul3A_257 = arith.constant 18 : i32
      %mul3A_258 = arith.muli %mul3A_257, %select_n3A_256 : i32
      %add3A_259 = arith.constant 12 : i32
      %add3A_260 = arith.addi %mul3A_258, %add3A_259 : i32
      %jit3A_261 = arith.constant 6 : i32
      %eq3A_262 = arith.constant 0 : i32
      %eq3A_263 = arith.cmpi eq, %jit3A_261, %eq3A_262 : i32
      %jit3A_264 = arith.constant 1 : i32
      %select_n3A_265 = arith.select %eq3A_263, %jit3A_264, %jit3A_261 : i32
      %rem3A_266 = arith.remsi %add3A_232, %select_n3A_265 : i32
      %ne3A_267 = arith.constant 0 : i32
      %ne3A_268 = arith.cmpi ne, %rem3A_266, %ne3A_267 : i32
      %lt3A_269 = arith.constant 0 : i32
      %lt3A_270 = arith.cmpi slt, %rem3A_266, %lt3A_269 : i32
      %lt3A_271 = arith.constant 0 : i32
      %lt3A_272 = arith.cmpi slt, %select_n3A_265, %lt3A_271 : i32
      %ne3A_273 = arith.xori %lt3A_270, %lt3A_272 : i1
      %and3A_274 = arith.andi %ne3A_273, %ne3A_268 : i1
      %add3A_275 = arith.addi %rem3A_266, %select_n3A_265 : i32
      %select_n3A_276 = arith.select %and3A_274, %add3A_275, %rem3A_266 : i32
      %add3A_277 = arith.addi %add3A_260, %select_n3A_276 : i32
      %add3A_278 = arith.constant 6 : i32
      %add3A_279 = arith.addi %mul3A_2, %add3A_278 : i32
      %jit3A_280 = arith.constant 6 : i32
      %div3A_281 = arith.divsi %add3A_279, %jit3A_280 : i32
      %sign3A_282 = arith.constant 0 : i32
      %sign3A_283 = arith.cmpi sgt, %add3A_279, %sign3A_282 : i32
      %sign3A_284 = arith.extui %sign3A_283 : i1 to i32
      %sign3A_285 = arith.constant 0 : i32
      %sign3A_286 = arith.cmpi slt, %add3A_279, %sign3A_285 : i32
      %sign3A_287 = arith.extui %sign3A_286 : i1 to i32
      %sign3A_288 = arith.subi %sign3A_284, %sign3A_287 : i32
      %sign3A_289 = arith.constant 0 : i32
      %sign3A_290 = arith.cmpi sgt, %jit3A_280, %sign3A_289 : i32
      %sign3A_291 = arith.extui %sign3A_290 : i1 to i32
      %sign3A_292 = arith.constant 0 : i32
      %sign3A_293 = arith.cmpi slt, %jit3A_280, %sign3A_292 : i32
      %sign3A_294 = arith.extui %sign3A_293 : i1 to i32
      %sign3A_295 = arith.subi %sign3A_291, %sign3A_294 : i32
      %ne3A_296 = arith.cmpi ne, %sign3A_288, %sign3A_295 : i32
      %rem3A_297 = arith.remsi %add3A_279, %jit3A_280 : i32
      %ne3A_298 = arith.constant 0 : i32
      %ne3A_299 = arith.cmpi ne, %rem3A_297, %ne3A_298 : i32
      %and3A_300 = arith.andi %ne3A_296, %ne3A_299 : i1
      %sub3A_301 = arith.constant 1 : i32
      %sub3A_302 = arith.subi %div3A_281, %sub3A_301 : i32
      %select_n3A_303 = arith.select %and3A_300, %sub3A_302, %div3A_281 : i32
      %mul3A_304 = arith.constant 18 : i32
      %mul3A_305 = arith.muli %mul3A_304, %select_n3A_303 : i32
      %add3A_306 = arith.constant 12 : i32
      %add3A_307 = arith.addi %mul3A_305, %add3A_306 : i32
      %jit3A_308 = arith.constant 6 : i32
      %eq3A_309 = arith.constant 0 : i32
      %eq3A_310 = arith.cmpi eq, %jit3A_308, %eq3A_309 : i32
      %jit3A_311 = arith.constant 1 : i32
      %select_n3A_312 = arith.select %eq3A_310, %jit3A_311, %jit3A_308 : i32
      %rem3A_313 = arith.remsi %add3A_279, %select_n3A_312 : i32
      %ne3A_314 = arith.constant 0 : i32
      %ne3A_315 = arith.cmpi ne, %rem3A_313, %ne3A_314 : i32
      %lt3A_316 = arith.constant 0 : i32
      %lt3A_317 = arith.cmpi slt, %rem3A_313, %lt3A_316 : i32
      %lt3A_318 = arith.constant 0 : i32
      %lt3A_319 = arith.cmpi slt, %select_n3A_312, %lt3A_318 : i32
      %ne3A_320 = arith.xori %lt3A_317, %lt3A_319 : i1
      %and3A_321 = arith.andi %ne3A_320, %ne3A_315 : i1
      %add3A_322 = arith.addi %rem3A_313, %select_n3A_312 : i32
      %select_n3A_323 = arith.select %and3A_321, %add3A_322, %rem3A_313 : i32
      %add3A_324 = arith.addi %add3A_307, %select_n3A_323 : i32
      %add3A_325 = arith.constant 7 : i32
      %add3A_326 = arith.addi %mul3A_2, %add3A_325 : i32
      %jit3A_327 = arith.constant 6 : i32
      %div3A_328 = arith.divsi %add3A_326, %jit3A_327 : i32
      %sign3A_329 = arith.constant 0 : i32
      %sign3A_330 = arith.cmpi sgt, %add3A_326, %sign3A_329 : i32
      %sign3A_331 = arith.extui %sign3A_330 : i1 to i32
      %sign3A_332 = arith.constant 0 : i32
      %sign3A_333 = arith.cmpi slt, %add3A_326, %sign3A_332 : i32
      %sign3A_334 = arith.extui %sign3A_333 : i1 to i32
      %sign3A_335 = arith.subi %sign3A_331, %sign3A_334 : i32
      %sign3A_336 = arith.constant 0 : i32
      %sign3A_337 = arith.cmpi sgt, %jit3A_327, %sign3A_336 : i32
      %sign3A_338 = arith.extui %sign3A_337 : i1 to i32
      %sign3A_339 = arith.constant 0 : i32
      %sign3A_340 = arith.cmpi slt, %jit3A_327, %sign3A_339 : i32
      %sign3A_341 = arith.extui %sign3A_340 : i1 to i32
      %sign3A_342 = arith.subi %sign3A_338, %sign3A_341 : i32
      %ne3A_343 = arith.cmpi ne, %sign3A_335, %sign3A_342 : i32
      %rem3A_344 = arith.remsi %add3A_326, %jit3A_327 : i32
      %ne3A_345 = arith.constant 0 : i32
      %ne3A_346 = arith.cmpi ne, %rem3A_344, %ne3A_345 : i32
      %and3A_347 = arith.andi %ne3A_343, %ne3A_346 : i1
      %sub3A_348 = arith.constant 1 : i32
      %sub3A_349 = arith.subi %div3A_328, %sub3A_348 : i32
      %select_n3A_350 = arith.select %and3A_347, %sub3A_349, %div3A_328 : i32
      %mul3A_351 = arith.constant 18 : i32
      %mul3A_352 = arith.muli %mul3A_351, %select_n3A_350 : i32
      %add3A_353 = arith.constant 12 : i32
      %add3A_354 = arith.addi %mul3A_352, %add3A_353 : i32
      %jit3A_355 = arith.constant 6 : i32
      %eq3A_356 = arith.constant 0 : i32
      %eq3A_357 = arith.cmpi eq, %jit3A_355, %eq3A_356 : i32
      %jit3A_358 = arith.constant 1 : i32
      %select_n3A_359 = arith.select %eq3A_357, %jit3A_358, %jit3A_355 : i32
      %rem3A_360 = arith.remsi %add3A_326, %select_n3A_359 : i32
      %ne3A_361 = arith.constant 0 : i32
      %ne3A_362 = arith.cmpi ne, %rem3A_360, %ne3A_361 : i32
      %lt3A_363 = arith.constant 0 : i32
      %lt3A_364 = arith.cmpi slt, %rem3A_360, %lt3A_363 : i32
      %lt3A_365 = arith.constant 0 : i32
      %lt3A_366 = arith.cmpi slt, %select_n3A_359, %lt3A_365 : i32
      %ne3A_367 = arith.xori %lt3A_364, %lt3A_366 : i1
      %and3A_368 = arith.andi %ne3A_367, %ne3A_362 : i1
      %add3A_369 = arith.addi %rem3A_360, %select_n3A_359 : i32
      %select_n3A_370 = arith.select %and3A_368, %add3A_369, %rem3A_360 : i32
      %add3A_371 = arith.addi %add3A_354, %select_n3A_370 : i32
      %add3A_372 = arith.constant 8 : i32
      %add3A_373 = arith.addi %mul3A_2, %add3A_372 : i32
      %jit3A_374 = arith.constant 6 : i32
      %div3A_375 = arith.divsi %add3A_373, %jit3A_374 : i32
      %sign3A_376 = arith.constant 0 : i32
      %sign3A_377 = arith.cmpi sgt, %add3A_373, %sign3A_376 : i32
      %sign3A_378 = arith.extui %sign3A_377 : i1 to i32
      %sign3A_379 = arith.constant 0 : i32
      %sign3A_380 = arith.cmpi slt, %add3A_373, %sign3A_379 : i32
      %sign3A_381 = arith.extui %sign3A_380 : i1 to i32
      %sign3A_382 = arith.subi %sign3A_378, %sign3A_381 : i32
      %sign3A_383 = arith.constant 0 : i32
      %sign3A_384 = arith.cmpi sgt, %jit3A_374, %sign3A_383 : i32
      %sign3A_385 = arith.extui %sign3A_384 : i1 to i32
      %sign3A_386 = arith.constant 0 : i32
      %sign3A_387 = arith.cmpi slt, %jit3A_374, %sign3A_386 : i32
      %sign3A_388 = arith.extui %sign3A_387 : i1 to i32
      %sign3A_389 = arith.subi %sign3A_385, %sign3A_388 : i32
      %ne3A_390 = arith.cmpi ne, %sign3A_382, %sign3A_389 : i32
      %rem3A_391 = arith.remsi %add3A_373, %jit3A_374 : i32
      %ne3A_392 = arith.constant 0 : i32
      %ne3A_393 = arith.cmpi ne, %rem3A_391, %ne3A_392 : i32
      %and3A_394 = arith.andi %ne3A_390, %ne3A_393 : i1
      %sub3A_395 = arith.constant 1 : i32
      %sub3A_396 = arith.subi %div3A_375, %sub3A_395 : i32
      %select_n3A_397 = arith.select %and3A_394, %sub3A_396, %div3A_375 : i32
      %mul3A_398 = arith.constant 18 : i32
      %mul3A_399 = arith.muli %mul3A_398, %select_n3A_397 : i32
      %add3A_400 = arith.constant 12 : i32
      %add3A_401 = arith.addi %mul3A_399, %add3A_400 : i32
      %jit3A_402 = arith.constant 6 : i32
      %eq3A_403 = arith.constant 0 : i32
      %eq3A_404 = arith.cmpi eq, %jit3A_402, %eq3A_403 : i32
      %jit3A_405 = arith.constant 1 : i32
      %select_n3A_406 = arith.select %eq3A_404, %jit3A_405, %jit3A_402 : i32
      %rem3A_407 = arith.remsi %add3A_373, %select_n3A_406 : i32
      %ne3A_408 = arith.constant 0 : i32
      %ne3A_409 = arith.cmpi ne, %rem3A_407, %ne3A_408 : i32
      %lt3A_410 = arith.constant 0 : i32
      %lt3A_411 = arith.cmpi slt, %rem3A_407, %lt3A_410 : i32
      %lt3A_412 = arith.constant 0 : i32
      %lt3A_413 = arith.cmpi slt, %select_n3A_406, %lt3A_412 : i32
      %ne3A_414 = arith.xori %lt3A_411, %lt3A_413 : i1
      %and3A_415 = arith.andi %ne3A_414, %ne3A_409 : i1
      %add3A_416 = arith.addi %rem3A_407, %select_n3A_406 : i32
      %select_n3A_417 = arith.select %and3A_415, %add3A_416, %rem3A_407 : i32
      %add3A_418 = arith.addi %add3A_401, %select_n3A_417 : i32
      %add3A_419 = arith.constant 9 : i32
      %add3A_420 = arith.addi %mul3A_2, %add3A_419 : i32
      %jit3A_421 = arith.constant 6 : i32
      %div3A_422 = arith.divsi %add3A_420, %jit3A_421 : i32
      %sign3A_423 = arith.constant 0 : i32
      %sign3A_424 = arith.cmpi sgt, %add3A_420, %sign3A_423 : i32
      %sign3A_425 = arith.extui %sign3A_424 : i1 to i32
      %sign3A_426 = arith.constant 0 : i32
      %sign3A_427 = arith.cmpi slt, %add3A_420, %sign3A_426 : i32
      %sign3A_428 = arith.extui %sign3A_427 : i1 to i32
      %sign3A_429 = arith.subi %sign3A_425, %sign3A_428 : i32
      %sign3A_430 = arith.constant 0 : i32
      %sign3A_431 = arith.cmpi sgt, %jit3A_421, %sign3A_430 : i32
      %sign3A_432 = arith.extui %sign3A_431 : i1 to i32
      %sign3A_433 = arith.constant 0 : i32
      %sign3A_434 = arith.cmpi slt, %jit3A_421, %sign3A_433 : i32
      %sign3A_435 = arith.extui %sign3A_434 : i1 to i32
      %sign3A_436 = arith.subi %sign3A_432, %sign3A_435 : i32
      %ne3A_437 = arith.cmpi ne, %sign3A_429, %sign3A_436 : i32
      %rem3A_438 = arith.remsi %add3A_420, %jit3A_421 : i32
      %ne3A_439 = arith.constant 0 : i32
      %ne3A_440 = arith.cmpi ne, %rem3A_438, %ne3A_439 : i32
      %and3A_441 = arith.andi %ne3A_437, %ne3A_440 : i1
      %sub3A_442 = arith.constant 1 : i32
      %sub3A_443 = arith.subi %div3A_422, %sub3A_442 : i32
      %select_n3A_444 = arith.select %and3A_441, %sub3A_443, %div3A_422 : i32
      %mul3A_445 = arith.constant 18 : i32
      %mul3A_446 = arith.muli %mul3A_445, %select_n3A_444 : i32
      %add3A_447 = arith.constant 12 : i32
      %add3A_448 = arith.addi %mul3A_446, %add3A_447 : i32
      %jit3A_449 = arith.constant 6 : i32
      %eq3A_450 = arith.constant 0 : i32
      %eq3A_451 = arith.cmpi eq, %jit3A_449, %eq3A_450 : i32
      %jit3A_452 = arith.constant 1 : i32
      %select_n3A_453 = arith.select %eq3A_451, %jit3A_452, %jit3A_449 : i32
      %rem3A_454 = arith.remsi %add3A_420, %select_n3A_453 : i32
      %ne3A_455 = arith.constant 0 : i32
      %ne3A_456 = arith.cmpi ne, %rem3A_454, %ne3A_455 : i32
      %lt3A_457 = arith.constant 0 : i32
      %lt3A_458 = arith.cmpi slt, %rem3A_454, %lt3A_457 : i32
      %lt3A_459 = arith.constant 0 : i32
      %lt3A_460 = arith.cmpi slt, %select_n3A_453, %lt3A_459 : i32
      %ne3A_461 = arith.xori %lt3A_458, %lt3A_460 : i1
      %and3A_462 = arith.andi %ne3A_461, %ne3A_456 : i1
      %add3A_463 = arith.addi %rem3A_454, %select_n3A_453 : i32
      %select_n3A_464 = arith.select %and3A_462, %add3A_463, %rem3A_454 : i32
      %add3A_465 = arith.addi %add3A_448, %select_n3A_464 : i32
      %add3A_466 = arith.constant 10 : i32
      %add3A_467 = arith.addi %mul3A_2, %add3A_466 : i32
      %jit3A_468 = arith.constant 6 : i32
      %div3A_469 = arith.divsi %add3A_467, %jit3A_468 : i32
      %sign3A_470 = arith.constant 0 : i32
      %sign3A_471 = arith.cmpi sgt, %add3A_467, %sign3A_470 : i32
      %sign3A_472 = arith.extui %sign3A_471 : i1 to i32
      %sign3A_473 = arith.constant 0 : i32
      %sign3A_474 = arith.cmpi slt, %add3A_467, %sign3A_473 : i32
      %sign3A_475 = arith.extui %sign3A_474 : i1 to i32
      %sign3A_476 = arith.subi %sign3A_472, %sign3A_475 : i32
      %sign3A_477 = arith.constant 0 : i32
      %sign3A_478 = arith.cmpi sgt, %jit3A_468, %sign3A_477 : i32
      %sign3A_479 = arith.extui %sign3A_478 : i1 to i32
      %sign3A_480 = arith.constant 0 : i32
      %sign3A_481 = arith.cmpi slt, %jit3A_468, %sign3A_480 : i32
      %sign3A_482 = arith.extui %sign3A_481 : i1 to i32
      %sign3A_483 = arith.subi %sign3A_479, %sign3A_482 : i32
      %ne3A_484 = arith.cmpi ne, %sign3A_476, %sign3A_483 : i32
      %rem3A_485 = arith.remsi %add3A_467, %jit3A_468 : i32
      %ne3A_486 = arith.constant 0 : i32
      %ne3A_487 = arith.cmpi ne, %rem3A_485, %ne3A_486 : i32
      %and3A_488 = arith.andi %ne3A_484, %ne3A_487 : i1
      %sub3A_489 = arith.constant 1 : i32
      %sub3A_490 = arith.subi %div3A_469, %sub3A_489 : i32
      %select_n3A_491 = arith.select %and3A_488, %sub3A_490, %div3A_469 : i32
      %mul3A_492 = arith.constant 18 : i32
      %mul3A_493 = arith.muli %mul3A_492, %select_n3A_491 : i32
      %add3A_494 = arith.constant 12 : i32
      %add3A_495 = arith.addi %mul3A_493, %add3A_494 : i32
      %jit3A_496 = arith.constant 6 : i32
      %eq3A_497 = arith.constant 0 : i32
      %eq3A_498 = arith.cmpi eq, %jit3A_496, %eq3A_497 : i32
      %jit3A_499 = arith.constant 1 : i32
      %select_n3A_500 = arith.select %eq3A_498, %jit3A_499, %jit3A_496 : i32
      %rem3A_501 = arith.remsi %add3A_467, %select_n3A_500 : i32
      %ne3A_502 = arith.constant 0 : i32
      %ne3A_503 = arith.cmpi ne, %rem3A_501, %ne3A_502 : i32
      %lt3A_504 = arith.constant 0 : i32
      %lt3A_505 = arith.cmpi slt, %rem3A_501, %lt3A_504 : i32
      %lt3A_506 = arith.constant 0 : i32
      %lt3A_507 = arith.cmpi slt, %select_n3A_500, %lt3A_506 : i32
      %ne3A_508 = arith.xori %lt3A_505, %lt3A_507 : i1
      %and3A_509 = arith.andi %ne3A_508, %ne3A_503 : i1
      %add3A_510 = arith.addi %rem3A_501, %select_n3A_500 : i32
      %select_n3A_511 = arith.select %and3A_509, %add3A_510, %rem3A_501 : i32
      %add3A_512 = arith.addi %add3A_495, %select_n3A_511 : i32
      %add3A_513 = arith.constant 11 : i32
      %add3A_514 = arith.addi %mul3A_2, %add3A_513 : i32
      %jit3A_515 = arith.constant 6 : i32
      %div3A_516 = arith.divsi %add3A_514, %jit3A_515 : i32
      %sign3A_517 = arith.constant 0 : i32
      %sign3A_518 = arith.cmpi sgt, %add3A_514, %sign3A_517 : i32
      %sign3A_519 = arith.extui %sign3A_518 : i1 to i32
      %sign3A_520 = arith.constant 0 : i32
      %sign3A_521 = arith.cmpi slt, %add3A_514, %sign3A_520 : i32
      %sign3A_522 = arith.extui %sign3A_521 : i1 to i32
      %sign3A_523 = arith.subi %sign3A_519, %sign3A_522 : i32
      %sign3A_524 = arith.constant 0 : i32
      %sign3A_525 = arith.cmpi sgt, %jit3A_515, %sign3A_524 : i32
      %sign3A_526 = arith.extui %sign3A_525 : i1 to i32
      %sign3A_527 = arith.constant 0 : i32
      %sign3A_528 = arith.cmpi slt, %jit3A_515, %sign3A_527 : i32
      %sign3A_529 = arith.extui %sign3A_528 : i1 to i32
      %sign3A_530 = arith.subi %sign3A_526, %sign3A_529 : i32
      %ne3A_531 = arith.cmpi ne, %sign3A_523, %sign3A_530 : i32
      %rem3A_532 = arith.remsi %add3A_514, %jit3A_515 : i32
      %ne3A_533 = arith.constant 0 : i32
      %ne3A_534 = arith.cmpi ne, %rem3A_532, %ne3A_533 : i32
      %and3A_535 = arith.andi %ne3A_531, %ne3A_534 : i1
      %sub3A_536 = arith.constant 1 : i32
      %sub3A_537 = arith.subi %div3A_516, %sub3A_536 : i32
      %select_n3A_538 = arith.select %and3A_535, %sub3A_537, %div3A_516 : i32
      %mul3A_539 = arith.constant 18 : i32
      %mul3A_540 = arith.muli %mul3A_539, %select_n3A_538 : i32
      %add3A_541 = arith.constant 12 : i32
      %add3A_542 = arith.addi %mul3A_540, %add3A_541 : i32
      %jit3A_543 = arith.constant 6 : i32
      %eq3A_544 = arith.constant 0 : i32
      %eq3A_545 = arith.cmpi eq, %jit3A_543, %eq3A_544 : i32
      %jit3A_546 = arith.constant 1 : i32
      %select_n3A_547 = arith.select %eq3A_545, %jit3A_546, %jit3A_543 : i32
      %rem3A_548 = arith.remsi %add3A_514, %select_n3A_547 : i32
      %ne3A_549 = arith.constant 0 : i32
      %ne3A_550 = arith.cmpi ne, %rem3A_548, %ne3A_549 : i32
      %lt3A_551 = arith.constant 0 : i32
      %lt3A_552 = arith.cmpi slt, %rem3A_548, %lt3A_551 : i32
      %lt3A_553 = arith.constant 0 : i32
      %lt3A_554 = arith.cmpi slt, %select_n3A_547, %lt3A_553 : i32
      %ne3A_555 = arith.xori %lt3A_552, %lt3A_554 : i1
      %and3A_556 = arith.andi %ne3A_555, %ne3A_550 : i1
      %add3A_557 = arith.addi %rem3A_548, %select_n3A_547 : i32
      %select_n3A_558 = arith.select %and3A_556, %add3A_557, %rem3A_548 : i32
      %add3A_559 = arith.addi %add3A_542, %select_n3A_558 : i32
      %dma_start3A = arith.constant 0 : i32
      %dma_start3A_560 = arith.constant 0 : i32
      %dma_start3A_561 = tpu.memref_slice %arg2[%add3A_42, %dma_start3A, %dma_start3A_560] : memref<1152x128x256xf32, #tpu.memory_space<hbm>> -> memref<1x128x256xf32, #tpu.memory_space<hbm>>
      %dma_start3A_562 = arith.constant 0 : i32
      %dma_start3A_563 = arith.constant 0 : i32
      %dma_start3A_564 = tpu.memref_slice %arg2[%add3A_42, %dma_start3A_562, %dma_start3A_563] : memref<1152x128x256xf32, #tpu.memory_space<hbm>> -> memref<1x128x256xf32, #tpu.memory_space<hbm>>
      tpu.enqueue_dma source(%dma_start3A_564 : memref<1x128x256xf32, #tpu.memory_space<hbm>>) target(%arg4 : memref<1x128x256xf32, #tpu.memory_space<vmem>>) target_semaphore(%arg6 : memref<!tpu.dma_semaphore, #tpu.memory_space<semaphore_mem>>)
      %dma_wait3A = arith.constant 0 : i32
      %dma_wait3A_565 = arith.constant 0 : i32
      %dma_wait3A_566 = tpu.memref_slice %arg2[%add3A_42, %dma_wait3A, %dma_wait3A_565] : memref<1152x128x256xf32, #tpu.memory_space<hbm>> -> memref<1x128x256xf32, #tpu.memory_space<hbm>>
      %dma_wait3A_567 = arith.constant 0 : i32
      %dma_wait3A_568 = arith.constant 0 : i32
      %dma_wait3A_569 = tpu.memref_slice %arg2[%add3A_42, %dma_wait3A_567, %dma_wait3A_568] : memref<1152x128x256xf32, #tpu.memory_space<hbm>> -> memref<1x128x256xf32, #tpu.memory_space<hbm>>
      tpu.wait_dma2 semaphore(%arg6 : memref<!tpu.dma_semaphore, #tpu.memory_space<semaphore_mem>>) src(%dma_wait3A_569 : memref<1x128x256xf32, #tpu.memory_space<hbm>>) dst(%arg4 : memref<1x128x256xf32, #tpu.memory_space<vmem>>)
      %dma_start3A_570 = arith.constant 0 : i32
      %dma_start3A_571 = arith.constant 0 : i32
      %dma_start3A_572 = tpu.memref_slice %arg3[%add3A_6, %dma_start3A_570, %dma_start3A_571] : memref<384x128x256xf32, #tpu.memory_space<hbm>> -> memref<1x128x256xf32, #tpu.memory_space<hbm>>
      %dma_start3A_573 = arith.constant 0 : i32
      %dma_start3A_574 = arith.constant 0 : i32
      %dma_start3A_575 = tpu.memref_slice %arg3[%add3A_6, %dma_start3A_573, %dma_start3A_574] : memref<384x128x256xf32, #tpu.memory_space<hbm>> -> memref<1x128x256xf32, #tpu.memory_space<hbm>>
      tpu.enqueue_dma source(%arg4 : memref<1x128x256xf32, #tpu.memory_space<vmem>>) target(%dma_start3A_575 : memref<1x128x256xf32, #tpu.memory_space<hbm>>) target_semaphore(%arg8 : memref<!tpu.dma_semaphore, #tpu.memory_space<semaphore_mem>>)
      %dma_start3A_576 = arith.constant 0 : i32
      %dma_start3A_577 = arith.constant 0 : i32
      %dma_start3A_578 = tpu.memref_slice %arg2[%add3A_89, %dma_start3A_576, %dma_start3A_577] : memref<1152x128x256xf32, #tpu.memory_space<hbm>> -> memref<1x128x256xf32, #tpu.memory_space<hbm>>
      %dma_start3A_579 = arith.constant 0 : i32
      %dma_start3A_580 = arith.constant 0 : i32
      %dma_start3A_581 = tpu.memref_slice %arg2[%add3A_89, %dma_start3A_579, %dma_start3A_580] : memref<1152x128x256xf32, #tpu.memory_space<hbm>> -> memref<1x128x256xf32, #tpu.memory_space<hbm>>
      tpu.enqueue_dma source(%dma_start3A_581 : memref<1x128x256xf32, #tpu.memory_space<hbm>>) target(%arg5 : memref<1x128x256xf32, #tpu.memory_space<vmem>>) target_semaphore(%arg7 : memref<!tpu.dma_semaphore, #tpu.memory_space<semaphore_mem>>)
      %dma_wait3A_582 = arith.constant 0 : i32
      %dma_wait3A_583 = arith.constant 0 : i32
      %dma_wait3A_584 = tpu.memref_slice %arg2[%add3A_89, %dma_wait3A_582, %dma_wait3A_583] : memref<1152x128x256xf32, #tpu.memory_space<hbm>> -> memref<1x128x256xf32, #tpu.memory_space<hbm>>
      %dma_wait3A_585 = arith.constant 0 : i32
      %dma_wait3A_586 = arith.constant 0 : i32
      %dma_wait3A_587 = tpu.memref_slice %arg2[%add3A_89, %dma_wait3A_585, %dma_wait3A_586] : memref<1152x128x256xf32, #tpu.memory_space<hbm>> -> memref<1x128x256xf32, #tpu.memory_space<hbm>>
      tpu.wait_dma2 semaphore(%arg7 : memref<!tpu.dma_semaphore, #tpu.memory_space<semaphore_mem>>) src(%dma_wait3A_587 : memref<1x128x256xf32, #tpu.memory_space<hbm>>) dst(%arg5 : memref<1x128x256xf32, #tpu.memory_space<vmem>>)
      %dma_start3A_588 = arith.constant 0 : i32
      %dma_start3A_589 = arith.constant 0 : i32
      %dma_start3A_590 = tpu.memref_slice %arg3[%add3A_44, %dma_start3A_588, %dma_start3A_589] : memref<384x128x256xf32, #tpu.memory_space<hbm>> -> memref<1x128x256xf32, #tpu.memory_space<hbm>>
      %dma_start3A_591 = arith.constant 0 : i32
      %dma_start3A_592 = arith.constant 0 : i32
      %dma_start3A_593 = tpu.memref_slice %arg3[%add3A_44, %dma_start3A_591, %dma_start3A_592] : memref<384x128x256xf32, #tpu.memory_space<hbm>> -> memref<1x128x256xf32, #tpu.memory_space<hbm>>
      tpu.enqueue_dma source(%arg5 : memref<1x128x256xf32, #tpu.memory_space<vmem>>) target(%dma_start3A_593 : memref<1x128x256xf32, #tpu.memory_space<hbm>>) target_semaphore(%arg9 : memref<!tpu.dma_semaphore, #tpu.memory_space<semaphore_mem>>)
      %dma_wait3A_594 = arith.constant 0 : i32
      %dma_wait3A_595 = arith.constant 0 : i32
      %dma_wait3A_596 = tpu.memref_slice %arg3[%add3A_6, %dma_wait3A_594, %dma_wait3A_595] : memref<384x128x256xf32, #tpu.memory_space<hbm>> -> memref<1x128x256xf32, #tpu.memory_space<hbm>>
      %dma_wait3A_597 = arith.constant 0 : i32
      %dma_wait3A_598 = arith.constant 0 : i32
      %dma_wait3A_599 = tpu.memref_slice %arg3[%add3A_6, %dma_wait3A_597, %dma_wait3A_598] : memref<384x128x256xf32, #tpu.memory_space<hbm>> -> memref<1x128x256xf32, #tpu.memory_space<hbm>>
      tpu.wait_dma2 semaphore(%arg8 : memref<!tpu.dma_semaphore, #tpu.memory_space<semaphore_mem>>) src(%arg4 : memref<1x128x256xf32, #tpu.memory_space<vmem>>) dst(%dma_wait3A_599 : memref<1x128x256xf32, #tpu.memory_space<hbm>>)
      %dma_start3A_600 = arith.constant 0 : i32
      %dma_start3A_601 = arith.constant 0 : i32
      %dma_start3A_602 = tpu.memref_slice %arg2[%add3A_136, %dma_start3A_600, %dma_start3A_601] : memref<1152x128x256xf32, #tpu.memory_space<hbm>> -> memref<1x128x256xf32, #tpu.memory_space<hbm>>
      %dma_start3A_603 = arith.constant 0 : i32
      %dma_start3A_604 = arith.constant 0 : i32
      %dma_start3A_605 = tpu.memref_slice %arg2[%add3A_136, %dma_start3A_603, %dma_start3A_604] : memref<1152x128x256xf32, #tpu.memory_space<hbm>> -> memref<1x128x256xf32, #tpu.memory_space<hbm>>
      tpu.enqueue_dma source(%dma_start3A_605 : memref<1x128x256xf32, #tpu.memory_space<hbm>>) target(%arg4 : memref<1x128x256xf32, #tpu.memory_space<vmem>>) target_semaphore(%arg6 : memref<!tpu.dma_semaphore, #tpu.memory_space<semaphore_mem>>)
      %dma_wait3A_606 = arith.constant 0 : i32
      %dma_wait3A_607 = arith.constant 0 : i32
      %dma_wait3A_608 = tpu.memref_slice %arg2[%add3A_136, %dma_wait3A_606, %dma_wait3A_607] : memref<1152x128x256xf32, #tpu.memory_space<hbm>> -> memref<1x128x256xf32, #tpu.memory_space<hbm>>
      %dma_wait3A_609 = arith.constant 0 : i32
      %dma_wait3A_610 = arith.constant 0 : i32
      %dma_wait3A_611 = tpu.memref_slice %arg2[%add3A_136, %dma_wait3A_609, %dma_wait3A_610] : memref<1152x128x256xf32, #tpu.memory_space<hbm>> -> memref<1x128x256xf32, #tpu.memory_space<hbm>>
      tpu.wait_dma2 semaphore(%arg6 : memref<!tpu.dma_semaphore, #tpu.memory_space<semaphore_mem>>) src(%dma_wait3A_611 : memref<1x128x256xf32, #tpu.memory_space<hbm>>) dst(%arg4 : memref<1x128x256xf32, #tpu.memory_space<vmem>>)
      %dma_start3A_612 = arith.constant 0 : i32
      %dma_start3A_613 = arith.constant 0 : i32
      %dma_start3A_614 = tpu.memref_slice %arg3[%add3A_91, %dma_start3A_612, %dma_start3A_613] : memref<384x128x256xf32, #tpu.memory_space<hbm>> -> memref<1x128x256xf32, #tpu.memory_space<hbm>>
      %dma_start3A_615 = arith.constant 0 : i32
      %dma_start3A_616 = arith.constant 0 : i32
      %dma_start3A_617 = tpu.memref_slice %arg3[%add3A_91, %dma_start3A_615, %dma_start3A_616] : memref<384x128x256xf32, #tpu.memory_space<hbm>> -> memref<1x128x256xf32, #tpu.memory_space<hbm>>
      tpu.enqueue_dma source(%arg4 : memref<1x128x256xf32, #tpu.memory_space<vmem>>) target(%dma_start3A_617 : memref<1x128x256xf32, #tpu.memory_space<hbm>>) target_semaphore(%arg8 : memref<!tpu.dma_semaphore, #tpu.memory_space<semaphore_mem>>)
      %dma_wait3A_618 = arith.constant 0 : i32
      %dma_wait3A_619 = arith.constant 0 : i32
      %dma_wait3A_620 = tpu.memref_slice %arg3[%add3A_44, %dma_wait3A_618, %dma_wait3A_619] : memref<384x128x256xf32, #tpu.memory_space<hbm>> -> memref<1x128x256xf32, #tpu.memory_space<hbm>>
      %dma_wait3A_621 = arith.constant 0 : i32
      %dma_wait3A_622 = arith.constant 0 : i32
      %dma_wait3A_623 = tpu.memref_slice %arg3[%add3A_44, %dma_wait3A_621, %dma_wait3A_622] : memref<384x128x256xf32, #tpu.memory_space<hbm>> -> memref<1x128x256xf32, #tpu.memory_space<hbm>>
      tpu.wait_dma2 semaphore(%arg9 : memref<!tpu.dma_semaphore, #tpu.memory_space<semaphore_mem>>) src(%arg5 : memref<1x128x256xf32, #tpu.memory_space<vmem>>) dst(%dma_wait3A_623 : memref<1x128x256xf32, #tpu.memory_space<hbm>>)
      %dma_start3A_624 = arith.constant 0 : i32
      %dma_start3A_625 = arith.constant 0 : i32
      %dma_start3A_626 = tpu.memref_slice %arg2[%add3A_183, %dma_start3A_624, %dma_start3A_625] : memref<1152x128x256xf32, #tpu.memory_space<hbm>> -> memref<1x128x256xf32, #tpu.memory_space<hbm>>
      %dma_start3A_627 = arith.constant 0 : i32
      %dma_start3A_628 = arith.constant 0 : i32
      %dma_start3A_629 = tpu.memref_slice %arg2[%add3A_183, %dma_start3A_627, %dma_start3A_628] : memref<1152x128x256xf32, #tpu.memory_space<hbm>> -> memref<1x128x256xf32, #tpu.memory_space<hbm>>
      tpu.enqueue_dma source(%dma_start3A_629 : memref<1x128x256xf32, #tpu.memory_space<hbm>>) target(%arg5 : memref<1x128x256xf32, #tpu.memory_space<vmem>>) target_semaphore(%arg7 : memref<!tpu.dma_semaphore, #tpu.memory_space<semaphore_mem>>)
      %dma_wait3A_630 = arith.constant 0 : i32
      %dma_wait3A_631 = arith.constant 0 : i32
      %dma_wait3A_632 = tpu.memref_slice %arg2[%add3A_183, %dma_wait3A_630, %dma_wait3A_631] : memref<1152x128x256xf32, #tpu.memory_space<hbm>> -> memref<1x128x256xf32, #tpu.memory_space<hbm>>
      %dma_wait3A_633 = arith.constant 0 : i32
      %dma_wait3A_634 = arith.constant 0 : i32
      %dma_wait3A_635 = tpu.memref_slice %arg2[%add3A_183, %dma_wait3A_633, %dma_wait3A_634] : memref<1152x128x256xf32, #tpu.memory_space<hbm>> -> memref<1x128x256xf32, #tpu.memory_space<hbm>>
      tpu.wait_dma2 semaphore(%arg7 : memref<!tpu.dma_semaphore, #tpu.memory_space<semaphore_mem>>) src(%dma_wait3A_635 : memref<1x128x256xf32, #tpu.memory_space<hbm>>) dst(%arg5 : memref<1x128x256xf32, #tpu.memory_space<vmem>>)
      %dma_start3A_636 = arith.constant 0 : i32
      %dma_start3A_637 = arith.constant 0 : i32
      %dma_start3A_638 = tpu.memref_slice %arg3[%add3A_138, %dma_start3A_636, %dma_start3A_637] : memref<384x128x256xf32, #tpu.memory_space<hbm>> -> memref<1x128x256xf32, #tpu.memory_space<hbm>>
      %dma_start3A_639 = arith.constant 0 : i32
      %dma_start3A_640 = arith.constant 0 : i32
      %dma_start3A_641 = tpu.memref_slice %arg3[%add3A_138, %dma_start3A_639, %dma_start3A_640] : memref<384x128x256xf32, #tpu.memory_space<hbm>> -> memref<1x128x256xf32, #tpu.memory_space<hbm>>
      tpu.enqueue_dma source(%arg5 : memref<1x128x256xf32, #tpu.memory_space<vmem>>) target(%dma_start3A_641 : memref<1x128x256xf32, #tpu.memory_space<hbm>>) target_semaphore(%arg9 : memref<!tpu.dma_semaphore, #tpu.memory_space<semaphore_mem>>)
      %dma_wait3A_642 = arith.constant 0 : i32
      %dma_wait3A_643 = arith.constant 0 : i32
      %dma_wait3A_644 = tpu.memref_slice %arg3[%add3A_91, %dma_wait3A_642, %dma_wait3A_643] : memref<384x128x256xf32, #tpu.memory_space<hbm>> -> memref<1x128x256xf32, #tpu.memory_space<hbm>>
      %dma_wait3A_645 = arith.constant 0 : i32
      %dma_wait3A_646 = arith.constant 0 : i32
      %dma_wait3A_647 = tpu.memref_slice %arg3[%add3A_91, %dma_wait3A_645, %dma_wait3A_646] : memref<384x128x256xf32, #tpu.memory_space<hbm>> -> memref<1x128x256xf32, #tpu.memory_space<hbm>>
      tpu.wait_dma2 semaphore(%arg8 : memref<!tpu.dma_semaphore, #tpu.memory_space<semaphore_mem>>) src(%arg4 : memref<1x128x256xf32, #tpu.memory_space<vmem>>) dst(%dma_wait3A_647 : memref<1x128x256xf32, #tpu.memory_space<hbm>>)
      %dma_start3A_648 = arith.constant 0 : i32
      %dma_start3A_649 = arith.constant 0 : i32
      %dma_start3A_650 = tpu.memref_slice %arg2[%add3A_230, %dma_start3A_648, %dma_start3A_649] : memref<1152x128x256xf32, #tpu.memory_space<hbm>> -> memref<1x128x256xf32, #tpu.memory_space<hbm>>
      %dma_start3A_651 = arith.constant 0 : i32
      %dma_start3A_652 = arith.constant 0 : i32
      %dma_start3A_653 = tpu.memref_slice %arg2[%add3A_230, %dma_start3A_651, %dma_start3A_652] : memref<1152x128x256xf32, #tpu.memory_space<hbm>> -> memref<1x128x256xf32, #tpu.memory_space<hbm>>
      tpu.enqueue_dma source(%dma_start3A_653 : memref<1x128x256xf32, #tpu.memory_space<hbm>>) target(%arg4 : memref<1x128x256xf32, #tpu.memory_space<vmem>>) target_semaphore(%arg6 : memref<!tpu.dma_semaphore, #tpu.memory_space<semaphore_mem>>)
      %dma_wait3A_654 = arith.constant 0 : i32
      %dma_wait3A_655 = arith.constant 0 : i32
      %dma_wait3A_656 = tpu.memref_slice %arg2[%add3A_230, %dma_wait3A_654, %dma_wait3A_655] : memref<1152x128x256xf32, #tpu.memory_space<hbm>> -> memref<1x128x256xf32, #tpu.memory_space<hbm>>
      %dma_wait3A_657 = arith.constant 0 : i32
      %dma_wait3A_658 = arith.constant 0 : i32
      %dma_wait3A_659 = tpu.memref_slice %arg2[%add3A_230, %dma_wait3A_657, %dma_wait3A_658] : memref<1152x128x256xf32, #tpu.memory_space<hbm>> -> memref<1x128x256xf32, #tpu.memory_space<hbm>>
      tpu.wait_dma2 semaphore(%arg6 : memref<!tpu.dma_semaphore, #tpu.memory_space<semaphore_mem>>) src(%dma_wait3A_659 : memref<1x128x256xf32, #tpu.memory_space<hbm>>) dst(%arg4 : memref<1x128x256xf32, #tpu.memory_space<vmem>>)
      %dma_start3A_660 = arith.constant 0 : i32
      %dma_start3A_661 = arith.constant 0 : i32
      %dma_start3A_662 = tpu.memref_slice %arg3[%add3A_185, %dma_start3A_660, %dma_start3A_661] : memref<384x128x256xf32, #tpu.memory_space<hbm>> -> memref<1x128x256xf32, #tpu.memory_space<hbm>>
      %dma_start3A_663 = arith.constant 0 : i32
      %dma_start3A_664 = arith.constant 0 : i32
      %dma_start3A_665 = tpu.memref_slice %arg3[%add3A_185, %dma_start3A_663, %dma_start3A_664] : memref<384x128x256xf32, #tpu.memory_space<hbm>> -> memref<1x128x256xf32, #tpu.memory_space<hbm>>
      tpu.enqueue_dma source(%arg4 : memref<1x128x256xf32, #tpu.memory_space<vmem>>) target(%dma_start3A_665 : memref<1x128x256xf32, #tpu.memory_space<hbm>>) target_semaphore(%arg8 : memref<!tpu.dma_semaphore, #tpu.memory_space<semaphore_mem>>)
      %dma_wait3A_666 = arith.constant 0 : i32
      %dma_wait3A_667 = arith.constant 0 : i32
      %dma_wait3A_668 = tpu.memref_slice %arg3[%add3A_138, %dma_wait3A_666, %dma_wait3A_667] : memref<384x128x256xf32, #tpu.memory_space<hbm>> -> memref<1x128x256xf32, #tpu.memory_space<hbm>>
      %dma_wait3A_669 = arith.constant 0 : i32
      %dma_wait3A_670 = arith.constant 0 : i32
      %dma_wait3A_671 = tpu.memref_slice %arg3[%add3A_138, %dma_wait3A_669, %dma_wait3A_670] : memref<384x128x256xf32, #tpu.memory_space<hbm>> -> memref<1x128x256xf32, #tpu.memory_space<hbm>>
      tpu.wait_dma2 semaphore(%arg9 : memref<!tpu.dma_semaphore, #tpu.memory_space<semaphore_mem>>) src(%arg5 : memref<1x128x256xf32, #tpu.memory_space<vmem>>) dst(%dma_wait3A_671 : memref<1x128x256xf32, #tpu.memory_space<hbm>>)
      %dma_start3A_672 = arith.constant 0 : i32
      %dma_start3A_673 = arith.constant 0 : i32
      %dma_start3A_674 = tpu.memref_slice %arg2[%add3A_277, %dma_start3A_672, %dma_start3A_673] : memref<1152x128x256xf32, #tpu.memory_space<hbm>> -> memref<1x128x256xf32, #tpu.memory_space<hbm>>
      %dma_start3A_675 = arith.constant 0 : i32
      %dma_start3A_676 = arith.constant 0 : i32
      %dma_start3A_677 = tpu.memref_slice %arg2[%add3A_277, %dma_start3A_675, %dma_start3A_676] : memref<1152x128x256xf32, #tpu.memory_space<hbm>> -> memref<1x128x256xf32, #tpu.memory_space<hbm>>
      tpu.enqueue_dma source(%dma_start3A_677 : memref<1x128x256xf32, #tpu.memory_space<hbm>>) target(%arg5 : memref<1x128x256xf32, #tpu.memory_space<vmem>>) target_semaphore(%arg7 : memref<!tpu.dma_semaphore, #tpu.memory_space<semaphore_mem>>)
      %dma_wait3A_678 = arith.constant 0 : i32
      %dma_wait3A_679 = arith.constant 0 : i32
      %dma_wait3A_680 = tpu.memref_slice %arg2[%add3A_277, %dma_wait3A_678, %dma_wait3A_679] : memref<1152x128x256xf32, #tpu.memory_space<hbm>> -> memref<1x128x256xf32, #tpu.memory_space<hbm>>
      %dma_wait3A_681 = arith.constant 0 : i32
      %dma_wait3A_682 = arith.constant 0 : i32
      %dma_wait3A_683 = tpu.memref_slice %arg2[%add3A_277, %dma_wait3A_681, %dma_wait3A_682] : memref<1152x128x256xf32, #tpu.memory_space<hbm>> -> memref<1x128x256xf32, #tpu.memory_space<hbm>>
      tpu.wait_dma2 semaphore(%arg7 : memref<!tpu.dma_semaphore, #tpu.memory_space<semaphore_mem>>) src(%dma_wait3A_683 : memref<1x128x256xf32, #tpu.memory_space<hbm>>) dst(%arg5 : memref<1x128x256xf32, #tpu.memory_space<vmem>>)
      %dma_start3A_684 = arith.constant 0 : i32
      %dma_start3A_685 = arith.constant 0 : i32
      %dma_start3A_686 = tpu.memref_slice %arg3[%add3A_232, %dma_start3A_684, %dma_start3A_685] : memref<384x128x256xf32, #tpu.memory_space<hbm>> -> memref<1x128x256xf32, #tpu.memory_space<hbm>>
      %dma_start3A_687 = arith.constant 0 : i32
      %dma_start3A_688 = arith.constant 0 : i32
      %dma_start3A_689 = tpu.memref_slice %arg3[%add3A_232, %dma_start3A_687, %dma_start3A_688] : memref<384x128x256xf32, #tpu.memory_space<hbm>> -> memref<1x128x256xf32, #tpu.memory_space<hbm>>
      tpu.enqueue_dma source(%arg5 : memref<1x128x256xf32, #tpu.memory_space<vmem>>) target(%dma_start3A_689 : memref<1x128x256xf32, #tpu.memory_space<hbm>>) target_semaphore(%arg9 : memref<!tpu.dma_semaphore, #tpu.memory_space<semaphore_mem>>)
      %dma_wait3A_690 = arith.constant 0 : i32
      %dma_wait3A_691 = arith.constant 0 : i32
      %dma_wait3A_692 = tpu.memref_slice %arg3[%add3A_185, %dma_wait3A_690, %dma_wait3A_691] : memref<384x128x256xf32, #tpu.memory_space<hbm>> -> memref<1x128x256xf32, #tpu.memory_space<hbm>>
      %dma_wait3A_693 = arith.constant 0 : i32
      %dma_wait3A_694 = arith.constant 0 : i32
      %dma_wait3A_695 = tpu.memref_slice %arg3[%add3A_185, %dma_wait3A_693, %dma_wait3A_694] : memref<384x128x256xf32, #tpu.memory_space<hbm>> -> memref<1x128x256xf32, #tpu.memory_space<hbm>>
      tpu.wait_dma2 semaphore(%arg8 : memref<!tpu.dma_semaphore, #tpu.memory_space<semaphore_mem>>) src(%arg4 : memref<1x128x256xf32, #tpu.memory_space<vmem>>) dst(%dma_wait3A_695 : memref<1x128x256xf32, #tpu.memory_space<hbm>>)
      %dma_start3A_696 = arith.constant 0 : i32
      %dma_start3A_697 = arith.constant 0 : i32
      %dma_start3A_698 = tpu.memref_slice %arg2[%add3A_324, %dma_start3A_696, %dma_start3A_697] : memref<1152x128x256xf32, #tpu.memory_space<hbm>> -> memref<1x128x256xf32, #tpu.memory_space<hbm>>
      %dma_start3A_699 = arith.constant 0 : i32
      %dma_start3A_700 = arith.constant 0 : i32
      %dma_start3A_701 = tpu.memref_slice %arg2[%add3A_324, %dma_start3A_699, %dma_start3A_700] : memref<1152x128x256xf32, #tpu.memory_space<hbm>> -> memref<1x128x256xf32, #tpu.memory_space<hbm>>
      tpu.enqueue_dma source(%dma_start3A_701 : memref<1x128x256xf32, #tpu.memory_space<hbm>>) target(%arg4 : memref<1x128x256xf32, #tpu.memory_space<vmem>>) target_semaphore(%arg6 : memref<!tpu.dma_semaphore, #tpu.memory_space<semaphore_mem>>)
      %dma_wait3A_702 = arith.constant 0 : i32
      %dma_wait3A_703 = arith.constant 0 : i32
      %dma_wait3A_704 = tpu.memref_slice %arg2[%add3A_324, %dma_wait3A_702, %dma_wait3A_703] : memref<1152x128x256xf32, #tpu.memory_space<hbm>> -> memref<1x128x256xf32, #tpu.memory_space<hbm>>
      %dma_wait3A_705 = arith.constant 0 : i32
      %dma_wait3A_706 = arith.constant 0 : i32
      %dma_wait3A_707 = tpu.memref_slice %arg2[%add3A_324, %dma_wait3A_705, %dma_wait3A_706] : memref<1152x128x256xf32, #tpu.memory_space<hbm>> -> memref<1x128x256xf32, #tpu.memory_space<hbm>>
      tpu.wait_dma2 semaphore(%arg6 : memref<!tpu.dma_semaphore, #tpu.memory_space<semaphore_mem>>) src(%dma_wait3A_707 : memref<1x128x256xf32, #tpu.memory_space<hbm>>) dst(%arg4 : memref<1x128x256xf32, #tpu.memory_space<vmem>>)
      %dma_start3A_708 = arith.constant 0 : i32
      %dma_start3A_709 = arith.constant 0 : i32
      %dma_start3A_710 = tpu.memref_slice %arg3[%add3A_279, %dma_start3A_708, %dma_start3A_709] : memref<384x128x256xf32, #tpu.memory_space<hbm>> -> memref<1x128x256xf32, #tpu.memory_space<hbm>>
      %dma_start3A_711 = arith.constant 0 : i32
      %dma_start3A_712 = arith.constant 0 : i32
      %dma_start3A_713 = tpu.memref_slice %arg3[%add3A_279, %dma_start3A_711, %dma_start3A_712] : memref<384x128x256xf32, #tpu.memory_space<hbm>> -> memref<1x128x256xf32, #tpu.memory_space<hbm>>
      tpu.enqueue_dma source(%arg4 : memref<1x128x256xf32, #tpu.memory_space<vmem>>) target(%dma_start3A_713 : memref<1x128x256xf32, #tpu.memory_space<hbm>>) target_semaphore(%arg8 : memref<!tpu.dma_semaphore, #tpu.memory_space<semaphore_mem>>)
      %dma_wait3A_714 = arith.constant 0 : i32
      %dma_wait3A_715 = arith.constant 0 : i32
      %dma_wait3A_716 = tpu.memref_slice %arg3[%add3A_232, %dma_wait3A_714, %dma_wait3A_715] : memref<384x128x256xf32, #tpu.memory_space<hbm>> -> memref<1x128x256xf32, #tpu.memory_space<hbm>>
      %dma_wait3A_717 = arith.constant 0 : i32
      %dma_wait3A_718 = arith.constant 0 : i32
      %dma_wait3A_719 = tpu.memref_slice %arg3[%add3A_232, %dma_wait3A_717, %dma_wait3A_718] : memref<384x128x256xf32, #tpu.memory_space<hbm>> -> memref<1x128x256xf32, #tpu.memory_space<hbm>>
      tpu.wait_dma2 semaphore(%arg9 : memref<!tpu.dma_semaphore, #tpu.memory_space<semaphore_mem>>) src(%arg5 : memref<1x128x256xf32, #tpu.memory_space<vmem>>) dst(%dma_wait3A_719 : memref<1x128x256xf32, #tpu.memory_space<hbm>>)
      %dma_start3A_720 = arith.constant 0 : i32
      %dma_start3A_721 = arith.constant 0 : i32
      %dma_start3A_722 = tpu.memref_slice %arg2[%add3A_371, %dma_start3A_720, %dma_start3A_721] : memref<1152x128x256xf32, #tpu.memory_space<hbm>> -> memref<1x128x256xf32, #tpu.memory_space<hbm>>
      %dma_start3A_723 = arith.constant 0 : i32
      %dma_start3A_724 = arith.constant 0 : i32
      %dma_start3A_725 = tpu.memref_slice %arg2[%add3A_371, %dma_start3A_723, %dma_start3A_724] : memref<1152x128x256xf32, #tpu.memory_space<hbm>> -> memref<1x128x256xf32, #tpu.memory_space<hbm>>
      tpu.enqueue_dma source(%dma_start3A_725 : memref<1x128x256xf32, #tpu.memory_space<hbm>>) target(%arg5 : memref<1x128x256xf32, #tpu.memory_space<vmem>>) target_semaphore(%arg7 : memref<!tpu.dma_semaphore, #tpu.memory_space<semaphore_mem>>)
      %dma_wait3A_726 = arith.constant 0 : i32
      %dma_wait3A_727 = arith.constant 0 : i32
      %dma_wait3A_728 = tpu.memref_slice %arg2[%add3A_371, %dma_wait3A_726, %dma_wait3A_727] : memref<1152x128x256xf32, #tpu.memory_space<hbm>> -> memref<1x128x256xf32, #tpu.memory_space<hbm>>
      %dma_wait3A_729 = arith.constant 0 : i32
      %dma_wait3A_730 = arith.constant 0 : i32
      %dma_wait3A_731 = tpu.memref_slice %arg2[%add3A_371, %dma_wait3A_729, %dma_wait3A_730] : memref<1152x128x256xf32, #tpu.memory_space<hbm>> -> memref<1x128x256xf32, #tpu.memory_space<hbm>>
      tpu.wait_dma2 semaphore(%arg7 : memref<!tpu.dma_semaphore, #tpu.memory_space<semaphore_mem>>) src(%dma_wait3A_731 : memref<1x128x256xf32, #tpu.memory_space<hbm>>) dst(%arg5 : memref<1x128x256xf32, #tpu.memory_space<vmem>>)
      %dma_start3A_732 = arith.constant 0 : i32
      %dma_start3A_733 = arith.constant 0 : i32
      %dma_start3A_734 = tpu.memref_slice %arg3[%add3A_326, %dma_start3A_732, %dma_start3A_733] : memref<384x128x256xf32, #tpu.memory_space<hbm>> -> memref<1x128x256xf32, #tpu.memory_space<hbm>>
      %dma_start3A_735 = arith.constant 0 : i32
      %dma_start3A_736 = arith.constant 0 : i32
      %dma_start3A_737 = tpu.memref_slice %arg3[%add3A_326, %dma_start3A_735, %dma_start3A_736] : memref<384x128x256xf32, #tpu.memory_space<hbm>> -> memref<1x128x256xf32, #tpu.memory_space<hbm>>
      tpu.enqueue_dma source(%arg5 : memref<1x128x256xf32, #tpu.memory_space<vmem>>) target(%dma_start3A_737 : memref<1x128x256xf32, #tpu.memory_space<hbm>>) target_semaphore(%arg9 : memref<!tpu.dma_semaphore, #tpu.memory_space<semaphore_mem>>)
      %dma_wait3A_738 = arith.constant 0 : i32
      %dma_wait3A_739 = arith.constant 0 : i32
      %dma_wait3A_740 = tpu.memref_slice %arg3[%add3A_279, %dma_wait3A_738, %dma_wait3A_739] : memref<384x128x256xf32, #tpu.memory_space<hbm>> -> memref<1x128x256xf32, #tpu.memory_space<hbm>>
      %dma_wait3A_741 = arith.constant 0 : i32
      %dma_wait3A_742 = arith.constant 0 : i32
      %dma_wait3A_743 = tpu.memref_slice %arg3[%add3A_279, %dma_wait3A_741, %dma_wait3A_742] : memref<384x128x256xf32, #tpu.memory_space<hbm>> -> memref<1x128x256xf32, #tpu.memory_space<hbm>>
      tpu.wait_dma2 semaphore(%arg8 : memref<!tpu.dma_semaphore, #tpu.memory_space<semaphore_mem>>) src(%arg4 : memref<1x128x256xf32, #tpu.memory_space<vmem>>) dst(%dma_wait3A_743 : memref<1x128x256xf32, #tpu.memory_space<hbm>>)
      %dma_start3A_744 = arith.constant 0 : i32
      %dma_start3A_745 = arith.constant 0 : i32
      %dma_start3A_746 = tpu.memref_slice %arg2[%add3A_418, %dma_start3A_744, %dma_start3A_745] : memref<1152x128x256xf32, #tpu.memory_space<hbm>> -> memref<1x128x256xf32, #tpu.memory_space<hbm>>
      %dma_start3A_747 = arith.constant 0 : i32
      %dma_start3A_748 = arith.constant 0 : i32
      %dma_start3A_749 = tpu.memref_slice %arg2[%add3A_418, %dma_start3A_747, %dma_start3A_748] : memref<1152x128x256xf32, #tpu.memory_space<hbm>> -> memref<1x128x256xf32, #tpu.memory_space<hbm>>
      tpu.enqueue_dma source(%dma_start3A_749 : memref<1x128x256xf32, #tpu.memory_space<hbm>>) target(%arg4 : memref<1x128x256xf32, #tpu.memory_space<vmem>>) target_semaphore(%arg6 : memref<!tpu.dma_semaphore, #tpu.memory_space<semaphore_mem>>)
      %dma_wait3A_750 = arith.constant 0 : i32
      %dma_wait3A_751 = arith.constant 0 : i32
      %dma_wait3A_752 = tpu.memref_slice %arg2[%add3A_418, %dma_wait3A_750, %dma_wait3A_751] : memref<1152x128x256xf32, #tpu.memory_space<hbm>> -> memref<1x128x256xf32, #tpu.memory_space<hbm>>
      %dma_wait3A_753 = arith.constant 0 : i32
      %dma_wait3A_754 = arith.constant 0 : i32
      %dma_wait3A_755 = tpu.memref_slice %arg2[%add3A_418, %dma_wait3A_753, %dma_wait3A_754] : memref<1152x128x256xf32, #tpu.memory_space<hbm>> -> memref<1x128x256xf32, #tpu.memory_space<hbm>>
      tpu.wait_dma2 semaphore(%arg6 : memref<!tpu.dma_semaphore, #tpu.memory_space<semaphore_mem>>) src(%dma_wait3A_755 : memref<1x128x256xf32, #tpu.memory_space<hbm>>) dst(%arg4 : memref<1x128x256xf32, #tpu.memory_space<vmem>>)
      %dma_start3A_756 = arith.constant 0 : i32
      %dma_start3A_757 = arith.constant 0 : i32
      %dma_start3A_758 = tpu.memref_slice %arg3[%add3A_373, %dma_start3A_756, %dma_start3A_757] : memref<384x128x256xf32, #tpu.memory_space<hbm>> -> memref<1x128x256xf32, #tpu.memory_space<hbm>>
      %dma_start3A_759 = arith.constant 0 : i32
      %dma_start3A_760 = arith.constant 0 : i32
      %dma_start3A_761 = tpu.memref_slice %arg3[%add3A_373, %dma_start3A_759, %dma_start3A_760] : memref<384x128x256xf32, #tpu.memory_space<hbm>> -> memref<1x128x256xf32, #tpu.memory_space<hbm>>
      tpu.enqueue_dma source(%arg4 : memref<1x128x256xf32, #tpu.memory_space<vmem>>) target(%dma_start3A_761 : memref<1x128x256xf32, #tpu.memory_space<hbm>>) target_semaphore(%arg8 : memref<!tpu.dma_semaphore, #tpu.memory_space<semaphore_mem>>)
      %dma_wait3A_762 = arith.constant 0 : i32
      %dma_wait3A_763 = arith.constant 0 : i32
      %dma_wait3A_764 = tpu.memref_slice %arg3[%add3A_326, %dma_wait3A_762, %dma_wait3A_763] : memref<384x128x256xf32, #tpu.memory_space<hbm>> -> memref<1x128x256xf32, #tpu.memory_space<hbm>>
      %dma_wait3A_765 = arith.constant 0 : i32
      %dma_wait3A_766 = arith.constant 0 : i32
      %dma_wait3A_767 = tpu.memref_slice %arg3[%add3A_326, %dma_wait3A_765, %dma_wait3A_766] : memref<384x128x256xf32, #tpu.memory_space<hbm>> -> memref<1x128x256xf32, #tpu.memory_space<hbm>>
      tpu.wait_dma2 semaphore(%arg9 : memref<!tpu.dma_semaphore, #tpu.memory_space<semaphore_mem>>) src(%arg5 : memref<1x128x256xf32, #tpu.memory_space<vmem>>) dst(%dma_wait3A_767 : memref<1x128x256xf32, #tpu.memory_space<hbm>>)
      %dma_start3A_768 = arith.constant 0 : i32
      %dma_start3A_769 = arith.constant 0 : i32
      %dma_start3A_770 = tpu.memref_slice %arg2[%add3A_465, %dma_start3A_768, %dma_start3A_769] : memref<1152x128x256xf32, #tpu.memory_space<hbm>> -> memref<1x128x256xf32, #tpu.memory_space<hbm>>
      %dma_start3A_771 = arith.constant 0 : i32
      %dma_start3A_772 = arith.constant 0 : i32
      %dma_start3A_773 = tpu.memref_slice %arg2[%add3A_465, %dma_start3A_771, %dma_start3A_772] : memref<1152x128x256xf32, #tpu.memory_space<hbm>> -> memref<1x128x256xf32, #tpu.memory_space<hbm>>
      tpu.enqueue_dma source(%dma_start3A_773 : memref<1x128x256xf32, #tpu.memory_space<hbm>>) target(%arg5 : memref<1x128x256xf32, #tpu.memory_space<vmem>>) target_semaphore(%arg7 : memref<!tpu.dma_semaphore, #tpu.memory_space<semaphore_mem>>)
      %dma_wait3A_774 = arith.constant 0 : i32
      %dma_wait3A_775 = arith.constant 0 : i32
      %dma_wait3A_776 = tpu.memref_slice %arg2[%add3A_465, %dma_wait3A_774, %dma_wait3A_775] : memref<1152x128x256xf32, #tpu.memory_space<hbm>> -> memref<1x128x256xf32, #tpu.memory_space<hbm>>
      %dma_wait3A_777 = arith.constant 0 : i32
      %dma_wait3A_778 = arith.constant 0 : i32
      %dma_wait3A_779 = tpu.memref_slice %arg2[%add3A_465, %dma_wait3A_777, %dma_wait3A_778] : memref<1152x128x256xf32, #tpu.memory_space<hbm>> -> memref<1x128x256xf32, #tpu.memory_space<hbm>>
      tpu.wait_dma2 semaphore(%arg7 : memref<!tpu.dma_semaphore, #tpu.memory_space<semaphore_mem>>) src(%dma_wait3A_779 : memref<1x128x256xf32, #tpu.memory_space<hbm>>) dst(%arg5 : memref<1x128x256xf32, #tpu.memory_space<vmem>>)
      %dma_start3A_780 = arith.constant 0 : i32
      %dma_start3A_781 = arith.constant 0 : i32
      %dma_start3A_782 = tpu.memref_slice %arg3[%add3A_420, %dma_start3A_780, %dma_start3A_781] : memref<384x128x256xf32, #tpu.memory_space<hbm>> -> memref<1x128x256xf32, #tpu.memory_space<hbm>>
      %dma_start3A_783 = arith.constant 0 : i32
      %dma_start3A_784 = arith.constant 0 : i32
      %dma_start3A_785 = tpu.memref_slice %arg3[%add3A_420, %dma_start3A_783, %dma_start3A_784] : memref<384x128x256xf32, #tpu.memory_space<hbm>> -> memref<1x128x256xf32, #tpu.memory_space<hbm>>
      tpu.enqueue_dma source(%arg5 : memref<1x128x256xf32, #tpu.memory_space<vmem>>) target(%dma_start3A_785 : memref<1x128x256xf32, #tpu.memory_space<hbm>>) target_semaphore(%arg9 : memref<!tpu.dma_semaphore, #tpu.memory_space<semaphore_mem>>)
      %dma_wait3A_786 = arith.constant 0 : i32
      %dma_wait3A_787 = arith.constant 0 : i32
      %dma_wait3A_788 = tpu.memref_slice %arg3[%add3A_373, %dma_wait3A_786, %dma_wait3A_787] : memref<384x128x256xf32, #tpu.memory_space<hbm>> -> memref<1x128x256xf32, #tpu.memory_space<hbm>>
      %dma_wait3A_789 = arith.constant 0 : i32
      %dma_wait3A_790 = arith.constant 0 : i32
      %dma_wait3A_791 = tpu.memref_slice %arg3[%add3A_373, %dma_wait3A_789, %dma_wait3A_790] : memref<384x128x256xf32, #tpu.memory_space<hbm>> -> memref<1x128x256xf32, #tpu.memory_space<hbm>>
      tpu.wait_dma2 semaphore(%arg8 : memref<!tpu.dma_semaphore, #tpu.memory_space<semaphore_mem>>) src(%arg4 : memref<1x128x256xf32, #tpu.memory_space<vmem>>) dst(%dma_wait3A_791 : memref<1x128x256xf32, #tpu.memory_space<hbm>>)
      %dma_start3A_792 = arith.constant 0 : i32
      %dma_start3A_793 = arith.constant 0 : i32
      %dma_start3A_794 = tpu.memref_slice %arg2[%add3A_512, %dma_start3A_792, %dma_start3A_793] : memref<1152x128x256xf32, #tpu.memory_space<hbm>> -> memref<1x128x256xf32, #tpu.memory_space<hbm>>
      %dma_start3A_795 = arith.constant 0 : i32
      %dma_start3A_796 = arith.constant 0 : i32
      %dma_start3A_797 = tpu.memref_slice %arg2[%add3A_512, %dma_start3A_795, %dma_start3A_796] : memref<1152x128x256xf32, #tpu.memory_space<hbm>> -> memref<1x128x256xf32, #tpu.memory_space<hbm>>
      tpu.enqueue_dma source(%dma_start3A_797 : memref<1x128x256xf32, #tpu.memory_space<hbm>>) target(%arg4 : memref<1x128x256xf32, #tpu.memory_space<vmem>>) target_semaphore(%arg6 : memref<!tpu.dma_semaphore, #tpu.memory_space<semaphore_mem>>)
      %dma_wait3A_798 = arith.constant 0 : i32
      %dma_wait3A_799 = arith.constant 0 : i32
      %dma_wait3A_800 = tpu.memref_slice %arg2[%add3A_512, %dma_wait3A_798, %dma_wait3A_799] : memref<1152x128x256xf32, #tpu.memory_space<hbm>> -> memref<1x128x256xf32, #tpu.memory_space<hbm>>
      %dma_wait3A_801 = arith.constant 0 : i32
      %dma_wait3A_802 = arith.constant 0 : i32
      %dma_wait3A_803 = tpu.memref_slice %arg2[%add3A_512, %dma_wait3A_801, %dma_wait3A_802] : memref<1152x128x256xf32, #tpu.memory_space<hbm>> -> memref<1x128x256xf32, #tpu.memory_space<hbm>>
      tpu.wait_dma2 semaphore(%arg6 : memref<!tpu.dma_semaphore, #tpu.memory_space<semaphore_mem>>) src(%dma_wait3A_803 : memref<1x128x256xf32, #tpu.memory_space<hbm>>) dst(%arg4 : memref<1x128x256xf32, #tpu.memory_space<vmem>>)
      %dma_start3A_804 = arith.constant 0 : i32
      %dma_start3A_805 = arith.constant 0 : i32
      %dma_start3A_806 = tpu.memref_slice %arg3[%add3A_467, %dma_start3A_804, %dma_start3A_805] : memref<384x128x256xf32, #tpu.memory_space<hbm>> -> memref<1x128x256xf32, #tpu.memory_space<hbm>>
      %dma_start3A_807 = arith.constant 0 : i32
      %dma_start3A_808 = arith.constant 0 : i32
      %dma_start3A_809 = tpu.memref_slice %arg3[%add3A_467, %dma_start3A_807, %dma_start3A_808] : memref<384x128x256xf32, #tpu.memory_space<hbm>> -> memref<1x128x256xf32, #tpu.memory_space<hbm>>
      tpu.enqueue_dma source(%arg4 : memref<1x128x256xf32, #tpu.memory_space<vmem>>) target(%dma_start3A_809 : memref<1x128x256xf32, #tpu.memory_space<hbm>>) target_semaphore(%arg8 : memref<!tpu.dma_semaphore, #tpu.memory_space<semaphore_mem>>)
      %dma_wait3A_810 = arith.constant 0 : i32
      %dma_wait3A_811 = arith.constant 0 : i32
      %dma_wait3A_812 = tpu.memref_slice %arg3[%add3A_420, %dma_wait3A_810, %dma_wait3A_811] : memref<384x128x256xf32, #tpu.memory_space<hbm>> -> memref<1x128x256xf32, #tpu.memory_space<hbm>>
      %dma_wait3A_813 = arith.constant 0 : i32
      %dma_wait3A_814 = arith.constant 0 : i32
      %dma_wait3A_815 = tpu.memref_slice %arg3[%add3A_420, %dma_wait3A_813, %dma_wait3A_814] : memref<384x128x256xf32, #tpu.memory_space<hbm>> -> memref<1x128x256xf32, #tpu.memory_space<hbm>>
      tpu.wait_dma2 semaphore(%arg9 : memref<!tpu.dma_semaphore, #tpu.memory_space<semaphore_mem>>) src(%arg5 : memref<1x128x256xf32, #tpu.memory_space<vmem>>) dst(%dma_wait3A_815 : memref<1x128x256xf32, #tpu.memory_space<hbm>>)
      %dma_start3A_816 = arith.constant 0 : i32
      %dma_start3A_817 = arith.constant 0 : i32
      %dma_start3A_818 = tpu.memref_slice %arg2[%add3A_559, %dma_start3A_816, %dma_start3A_817] : memref<1152x128x256xf32, #tpu.memory_space<hbm>> -> memref<1x128x256xf32, #tpu.memory_space<hbm>>
      %dma_start3A_819 = arith.constant 0 : i32
      %dma_start3A_820 = arith.constant 0 : i32
      %dma_start3A_821 = tpu.memref_slice %arg2[%add3A_559, %dma_start3A_819, %dma_start3A_820] : memref<1152x128x256xf32, #tpu.memory_space<hbm>> -> memref<1x128x256xf32, #tpu.memory_space<hbm>>
      tpu.enqueue_dma source(%dma_start3A_821 : memref<1x128x256xf32, #tpu.memory_space<hbm>>) target(%arg5 : memref<1x128x256xf32, #tpu.memory_space<vmem>>) target_semaphore(%arg7 : memref<!tpu.dma_semaphore, #tpu.memory_space<semaphore_mem>>)
      %dma_wait3A_822 = arith.constant 0 : i32
      %dma_wait3A_823 = arith.constant 0 : i32
      %dma_wait3A_824 = tpu.memref_slice %arg2[%add3A_559, %dma_wait3A_822, %dma_wait3A_823] : memref<1152x128x256xf32, #tpu.memory_space<hbm>> -> memref<1x128x256xf32, #tpu.memory_space<hbm>>
      %dma_wait3A_825 = arith.constant 0 : i32
      %dma_wait3A_826 = arith.constant 0 : i32
      %dma_wait3A_827 = tpu.memref_slice %arg2[%add3A_559, %dma_wait3A_825, %dma_wait3A_826] : memref<1152x128x256xf32, #tpu.memory_space<hbm>> -> memref<1x128x256xf32, #tpu.memory_space<hbm>>
      tpu.wait_dma2 semaphore(%arg7 : memref<!tpu.dma_semaphore, #tpu.memory_space<semaphore_mem>>) src(%dma_wait3A_827 : memref<1x128x256xf32, #tpu.memory_space<hbm>>) dst(%arg5 : memref<1x128x256xf32, #tpu.memory_space<vmem>>)
      %dma_start3A_828 = arith.constant 0 : i32
      %dma_start3A_829 = arith.constant 0 : i32
      %dma_start3A_830 = tpu.memref_slice %arg3[%add3A_514, %dma_start3A_828, %dma_start3A_829] : memref<384x128x256xf32, #tpu.memory_space<hbm>> -> memref<1x128x256xf32, #tpu.memory_space<hbm>>
      %dma_start3A_831 = arith.constant 0 : i32
      %dma_start3A_832 = arith.constant 0 : i32
      %dma_start3A_833 = tpu.memref_slice %arg3[%add3A_514, %dma_start3A_831, %dma_start3A_832] : memref<384x128x256xf32, #tpu.memory_space<hbm>> -> memref<1x128x256xf32, #tpu.memory_space<hbm>>
      tpu.enqueue_dma source(%arg5 : memref<1x128x256xf32, #tpu.memory_space<vmem>>) target(%dma_start3A_833 : memref<1x128x256xf32, #tpu.memory_space<hbm>>) target_semaphore(%arg9 : memref<!tpu.dma_semaphore, #tpu.memory_space<semaphore_mem>>)
      %dma_wait3A_834 = arith.constant 0 : i32
      %dma_wait3A_835 = arith.constant 0 : i32
      %dma_wait3A_836 = tpu.memref_slice %arg3[%add3A_467, %dma_wait3A_834, %dma_wait3A_835] : memref<384x128x256xf32, #tpu.memory_space<hbm>> -> memref<1x128x256xf32, #tpu.memory_space<hbm>>
      %dma_wait3A_837 = arith.constant 0 : i32
      %dma_wait3A_838 = arith.constant 0 : i32
      %dma_wait3A_839 = tpu.memref_slice %arg3[%add3A_467, %dma_wait3A_837, %dma_wait3A_838] : memref<384x128x256xf32, #tpu.memory_space<hbm>> -> memref<1x128x256xf32, #tpu.memory_space<hbm>>
      tpu.wait_dma2 semaphore(%arg8 : memref<!tpu.dma_semaphore, #tpu.memory_space<semaphore_mem>>) src(%arg4 : memref<1x128x256xf32, #tpu.memory_space<vmem>>) dst(%dma_wait3A_839 : memref<1x128x256xf32, #tpu.memory_space<hbm>>)
      %dma_wait3A_840 = arith.constant 0 : i32
      %dma_wait3A_841 = arith.constant 0 : i32
      %dma_wait3A_842 = tpu.memref_slice %arg3[%add3A_514, %dma_wait3A_840, %dma_wait3A_841] : memref<384x128x256xf32, #tpu.memory_space<hbm>> -> memref<1x128x256xf32, #tpu.memory_space<hbm>>
      %dma_wait3A_843 = arith.constant 0 : i32
      %dma_wait3A_844 = arith.constant 0 : i32
      %dma_wait3A_845 = tpu.memref_slice %arg3[%add3A_514, %dma_wait3A_843, %dma_wait3A_844] : memref<384x128x256xf32, #tpu.memory_space<hbm>> -> memref<1x128x256xf32, #tpu.memory_space<hbm>>
      tpu.wait_dma2 semaphore(%arg9 : memref<!tpu.dma_semaphore, #tpu.memory_space<semaphore_mem>>) src(%arg5 : memref<1x128x256xf32, #tpu.memory_space<vmem>>) dst(%dma_wait3A_845 : memref<1x128x256xf32, #tpu.memory_space<hbm>>)
    } else {
    }
    return
  }
}

module attributes {stable_mosaic.version = 14 : i64} {
  func.func @_tc_copy(%arg0: i32, %arg1: memref<8x1536x256xf32, #tpu.memory_space<vmem>>, %arg2: memref<8x1536x256xf32, #tpu.memory_space<vmem>>) attributes {dimension_semantics = [#tpu.dimension_semantics<arbitrary>], iteration_bounds = array<i64: 8>, scalar_prefetch = 0 : i64, scratch_operands = 0 : i64, tpu.core_type = #tpu.core_type<tc>, window_params = [{transform_indices = @transform_0, window_bounds = array<i64: 8, 1536, 256>}, {transform_indices = @transform_1, window_bounds = array<i64: 8, 1536, 256>}]} {
    %get3A = arith.constant 0 : index
    %get3A_0 = arith.constant 0 : index
    %get3A_1 = arith.constant 0 : index
    %get3A_2 = vector.load %arg1[%get3A, %get3A_0, %get3A_1] : memref<8x1536x256xf32, #tpu.memory_space<vmem>>, vector<8x1536x256xf32>
    %swap3A = arith.constant 0 : index
    %swap3A_3 = arith.constant 0 : index
    %swap3A_4 = arith.constant 0 : index
    %swap3A_5 = vector.load %arg2[%swap3A, %swap3A_3, %swap3A_4] : memref<8x1536x256xf32, #tpu.memory_space<vmem>>, vector<8x1536x256xf32>
    tpu.vector_store %arg2[%swap3A, %swap3A_3, %swap3A_4], %get3A_2 {strides = array<i32>} : memref<8x1536x256xf32, #tpu.memory_space<vmem>>, vector<8x1536x256xf32>,
    return
  }
  func.func @transform_0(%arg0: i32) -> (i32, i32, i32) {
    %c0_i32 = arith.constant 0 : i32
    %c0_i32_0 = arith.constant 0 : i32
    %c0_i32_1 = arith.constant 0 : i32
    return %arg0, %c0_i32, %c0_i32_0 : i32, i32, i32
  }
  func.func @transform_1(%arg0: i32) -> (i32, i32, i32) {
    %c0_i32 = arith.constant 0 : i32
    %c0_i32_0 = arith.constant 0 : i32
    %c0_i32_1 = arith.constant 0 : i32
    return %arg0, %c0_i32, %c0_i32_0 : i32, i32, i32
  }
}

</mosaic_0001>

<sc_bundles>
// kernel: kernel.4.cloned.1.call-start
scs
__scs_entry_jumppad:
0x0: {  	(pc) =	sbr.rel $0x88, $3  }
0x1: {  	(tag) =	ssettag $0x0;
	lr =	simm.s32 $0x1  }
0x2: {  	[smem:$0x3FA0] =	sst lr;
	_ =	strace $0xD0000000  }
0x3: {  	_ = 	snop  }
0x4: {  	_ = 	snop  }
0x5: {  	_ = 	snop  }
0x6: {  	_ = 	snop  }
0x7: {  	_ = 	snop  }
__scs_overlays_trampoline_lowered:
0x8: {  	[smem:$0x3FAF] =	sst s0  }
0x9: {  	[smem:$0x3FB0] =	sst s1  }
0xa: {  	[smem:$0x3FB1] =	sst s2  }
0xb: {  	[smem:$0x3FB2] =	sst s3  }
0xc: {  	[smem:$0x3FB3] =	sst s4  }
0xd: {  	[smem:$0x3FB4] =	sst s5  }
0xe: {  	[smem:$0x3FB5] =	sst s6  }
0xf: {  	[smem:$0x3FB6] =	sst s7  }
0x10: {  	[smem:$0x3FB7] =	sst s8  }
0x11: {  	[smem:$0x3FB8] =	sst s9;
	s0 =	simm.s32 @!p0 $0x0  }
0x12: {  	s1 =	sld [smem:$0x3F9E];
	s0 =	simm.s32 @p0 $0x1  }
0x13: {  	[smem:$0x3FB9] =	sst s0;
	s0 =	simm.s32 @!p1 $0x0  }
0x14: {  	s2 =	sld [smem:$0x3F9D];
	s0 =	simm.s32 @p1 $0x1  }
0x15: {  	[smem:$0x3FBA] =	sst s0;
	s0 =	simm.s32 @!p2 $0x0  }
0x16: {  	s3 =	sld [smem:$0x3FDB];
	s0 =	simm.s32 @p2 $0x1  }
0x17: {  	s4 =	simm.s32 $0x1BF5;
	[smem:$0x3FBC] =	sst s0  }
0x18: {  	s0 =	sld [smem:$0x3F9F];
	_ =	swait.ge [sflag:s4], $0x0  }
0x19: {  	s7 =	sld [smem:$0x3FA0]  }
0x1a: {  	s8 =	sadd.s32 $0xFFFFE003, lr  }
0x1b: {  	s9 =	sadd.s32 $0xFFFFFEF7, lr;
	s5 =	simm.s32 $0xFFFFFFFF;
	p2 =	slt.u32 s8, $0xFFFFF086  }
0x1c: {  	p1 =	slt.u32 s9, $0xF7A;
	s5 =	simm.s32 @!p2 $0x0  }
0x1d: {  	s5 =	simm.s32 @p1 $0x1;
	p0 =	seq.s32 s7, s2  }
0x1e: {  	s7 =	smul.u32 @!p0 $0xF7A, s2;
	p2 =	seq.s32 @!p0 s5, $0x0  }
0x1f: {  	s9 =	smul.u32 $0xF7A, s1;
	s8 =	simm.s32 @!p0 $0x1BF5;
	p2 =	por !p2, p0  }
0x20: {  	[sflag:s8] =	ssyncset.s32 @!p0 $0xFFFFF086;
	s6 =	sadd.s32 @!p0 s3, s7;
	s7 =	simm.s32 @!p0 $0x108  }
0x21: {  	s3 =	sadd.s32 s3, s9;
	s6 =	sadd.s32 @!p0 $0x88, s6;
	s7 =	simm.s32 @p2 $0x1082  }
0x22: {  	[simem:s7], [sflag:s8] =	dma.local @!p0 [hbm:s6], $0xF7A  }
0x23: {  	s9 =	sor.u32 $0xD0000000, s2;
	s6 =	simm.s32 $0x108;
	_ =	swait.ge @!p0 [sflag:s8], $0x0  }
0x24: {  	s3 =	sadd.s32 $0x88, s3;
	s6 =	simm.s32 @!p1 $0x1082;
	[sflag:s4] =	ssyncset.s32 $0xFFFFF086  }
0x25: {  	[simem:s6], [sflag:s4] =	dma.local [hbm:s3], $0xF7A  }
0x26: {  	[smem:$0x3FA0] =	sst s1;
	(tag) =	ssettag s2;
	_ =	strace s9  }
0x27: {  	s1 =	sld [smem:$0x3FB0]  }
0x28: {  	s2 =	sld [smem:$0x3FB1]  }
0x29: {  	s4 =	sld [smem:$0x3FB3]  }
0x2a: {  	p0 =	seq.s32 s5, $0x0;
	s5 =	sld [smem:$0x3FB4]  }
0x2b: {  	s6 =	sld [smem:$0x3FB5]  }
0x2c: {  	s7 =	sld [smem:$0x3FB6]  }
0x2d: {  	s3 =	simm.s32 $0x108;
	s8 =	sld [smem:$0x3FB7]  }
0x2e: {  	s3 =	simm.s32 @!p0 $0x1082;
	s9 =	sld [smem:$0x3FB8]  }
0x2f: {  	lr =	sadd.s32 s0, s3;
	s0 =	sld [smem:$0x3FAF]  }
0x30: {  	s3 =	sld [smem:$0x3FB2]  }
0x31: {  	[smem:$0x3FBB] =	sst s10  }
0x32: {  	s10 =	sld [smem:$0x3FB9];
	_ =	sdelay $0x3  }
0x33: {  	p0 =	seq.s32 s10, $0x1;
	s10 =	sld [smem:$0x3FBB];
	_ =	sdelay $0x3  }
0x34: {  	[smem:$0x3FBB] =	sst s10  }
0x35: {  	s10 =	sld [smem:$0x3FBA];
	_ =	sdelay $0x3  }
0x36: {  	p1 =	seq.s32 s10, $0x1;
	s10 =	sld [smem:$0x3FBB];
	_ =	sdelay $0x3  }
0x37: {  	[smem:$0x3FBB] =	sst s10  }
0x38: {  	s10 =	sld [smem:$0x3FBC]  }
0x39: {  	_ = 	snop;
	(pc) =	sbr.ind lr, $3  }
0x3a: {  	_ = 	snop  }
0x3b: {  	_ = 	snop  }
0x3c: {  	p2 =	seq.s32 s10, $0x1;
	s10 =	sld [smem:$0x3FBB]  }
0x3d: {  	_ =	shalt  }
0x3e: {  	_ =	shalt  }
0x3f: {  	_ =	shalt  }
0x40: {  	_ =	shalt  }
0x41: {  	_ =	shalt  }
0x42: {  	_ =	shalt  }
0x43: {  	_ =	shalt  }
0x44: {  	_ =	shalt  }
0x45: {  	_ =	shalt  }
0x46: {  	_ =	shalt  }
0x47: {  	_ =	shalt  }
0x48: {  	_ =	shalt  }
0x49: {  	_ =	shalt  }
0x4a: {  	_ =	shalt  }
0x4b: {  	_ =	shalt  }
0x4c: {  	_ =	shalt  }
0x4d: {  	_ =	shalt  }
0x4e: {  	_ =	shalt  }
0x4f: {  	_ =	shalt  }
0x50: {  	_ =	shalt  }
0x51: {  	_ =	shalt  }
0x52: {  	_ =	shalt  }
0x53: {  	_ =	shalt  }
0x54: {  	_ =	shalt  }
0x55: {  	_ =	shalt  }
0x56: {  	_ =	shalt  }
0x57: {  	_ =	shalt  }
0x58: {  	_ =	shalt  }
0x59: {  	_ =	shalt  }
0x5a: {  	_ =	shalt  }
0x5b: {  	_ =	shalt  }
0x5c: {  	_ =	shalt  }
0x5d: {  	_ =	shalt  }
0x5e: {  	_ =	shalt  }
0x5f: {  	_ =	shalt  }
0x60: {  	_ =	shalt  }
0x61: {  	_ =	shalt  }
0x62: {  	_ =	shalt  }
0x63: {  	_ =	shalt  }
0x64: {  	_ =	shalt  }
0x65: {  	_ =	shalt  }
0x66: {  	_ =	shalt  }
0x67: {  	_ =	shalt  }
0x68: {  	_ =	shalt  }
0x69: {  	_ =	shalt  }
0x6a: {  	_ =	shalt  }
0x6b: {  	_ =	shalt  }
0x6c: {  	_ =	shalt  }
0x6d: {  	_ =	shalt  }
0x6e: {  	_ =	shalt  }
0x6f: {  	_ =	shalt  }
0x70: {  	_ =	shalt  }
0x71: {  	_ =	shalt  }
0x72: {  	_ =	shalt  }
0x73: {  	_ =	shalt  }
0x74: {  	_ =	shalt  }
0x75: {  	_ =	shalt  }
0x76: {  	_ =	shalt  }
0x77: {  	_ =	shalt  }
0x78: {  	_ =	shalt  }
0x79: {  	_ =	shalt  }
0x7a: {  	_ =	shalt  }
0x7b: {  	_ =	shalt  }
0x7c: {  	_ =	shalt  }
0x7d: {  	_ =	shalt  }
0x7e: {  	_ =	shalt  }
0x7f: {  	_ =	shalt  }
0x80: {  	_ =	shalt  }
0x81: {  	_ =	shalt  }
0x82: {  	_ =	shalt  }
0x83: {  	_ =	shalt  }
0x84: {  	_ =	shalt  }
0x85: {  	_ =	shalt  }
0x86: {  	_ =	shalt  }
0x87: {  	_ =	shalt  }
.Lfunc_end0:
.L_simem_size_0:
called_computation_lowered:
.L_overlay_start_0:
0x88: {  	s2 =	sld [smem:$0x3FD9]  }
0x89: {  	s3 =	sld [smem:$0x3FFE];
	_ =	sdelay $0x1  }
0x8a: {  	s1 =	srdreg.scid  }
0x8b: {  	s0 =	sand.u32 $0x1, s1  }
0x8c: {  	s15 =	sshll.u32 s0, $0xA;
	s2 =	sadd.s32 s3, s2  }
0x8d: {  	s2 =	sadd.s32 s2, s15  }
0x8e: {  	[smem:$0x3FC7] =	sst s2  }
0x8f: {  	_ = 	snop  }
0x90: {  	s2 =	sld [smem:$0x3FD0];
	_ =	sdelay $0x2  }
0x91: {  	s4 =	simm.s32 $0xA;
	s5 =	simm.s32 $0x10;
	s16 =	sld [smem:$0x3FC9]  }
0x92: {  	[smem:s5], [sflag:s4] =	dma.local [hbm:s2], $0x1  }
0x93: {  	_ =	swait.eq [sflag:s4], $0x1  }
0x94: {  	[sflag:s4] =	ssyncset.done $0x0  }
0x95: {  	[sflag:s4] =	ssyncadd.s32 $0xFFFFFFFF  }
0x96: {  	s17 =	sld [smem:$0x11];
	(tm) =	ssettm $0x1  }
0x97: {  	s18 =	sld [smem:$0x3FFB];
	_ =	sdelay $0x3  }
0x98: {  	_ =	strace s18  }
0x99: {  	s4 =	sld [smem:$0x3FFC];
	_ =	sdelay $0x3  }
0x9a: {  	_ =	strace s4  }
0x9b: {  	s4 =	sld [smem:$0x3FFD];
	_ =	sdelay $0x3  }
0x9c: {  	_ =	strace s4  }
0x9d: {  	_ =	strace $0x8FFFFFFF  }
0x9e: {  	s19 =	sld [smem:$0x3FDB];
	_ =	sdelay $0x1  }
0x9f: {  	s20 =	simm.s32 $_scs_section_size  }
0xa0: {  	s6 =	simm.s32 $_size__tile_overlayer_lowered;
	s7 =	simm.s32 $_tile_overlayer_lowered  }
0xa1: {  	s23 =	simm.s32 $0x1BFF;
	s22 =	sshll.u32 s7, $0x1;
	s4 =	sadd.s32 s20, s19  }
0xa2: {  	s8 =	simm.s32 $0x0;
	s21 =	sshll.u32 s6, $0x1;
	s6 =	sadd.s32 s22, s4  }
0xa3: {  	[timem:s8], [sflag:s23] =	dma.local [hbm:s6], s21  }
0xa4: {  	_ =	swait.ge [sflag:s23], s21  }
0xa5: {  	s5 =	ssub.s32 $0x0, s21;
	[sflag:s23] =	ssyncset.done $0x0  }
0xa6: {  	[sflag:s23] =	ssyncadd.s32 s5;
	_ =	sdelay $0x1  }
0xa7: {  	s24 =	simm.s32 $0x1B8B  }
0xa8: {  	_ =	swait.ge [sflag:s24], $0x1  }
0xa9: {  	[sflag:s24] =	ssyncset.done $0x0  }
0xaa: {  	s25 =	simm.s32 $0x1B8E;
	[sflag:s24] =	ssyncadd.s32 $0xFFFFFFFF  }
0xab: {  	s26 =	simm.s32 $execute0_lowered;
	[smem:$0x3FD2] =	sst s25  }
0xac: {  	s5 =	sshll.u32 s26, $0x1;
	_ =	strace $0x80000046;
	[dreg:$0x1] =	wrdreg $0xFFFFFFFF  }
0xad: {  	s28 =	simm.s32 $_size_execute0_lowered;
	s4 =	sadd.s32 s4, s5;
	[dreg:$0x0] =	wrdreg $0x0  }
0xae: {  	s5 =	sshll.u32 s28, $0x1;
	[dreg:$0x2] =	wrdreg s4  }
0xaf: {  	[dreg:$0x3] =	wrdreg s5  }
0xb0: {  	[dreg:$0x4] =	wrdreg $0xC0  }
0xb1: {  	_ =	task [dreg:s8], $0x5FFFF  }
0xb2: {  	[dreg:$0x1] =	wrdreg $0xFFFFFFFF  }
0xb3: {  	[dreg:$0x0] =	wrdreg $0x60  }
0xb4: {  	[dreg:$0x2] =	wrdreg s16  }
0xb5: {  	[dreg:$0x3] =	wrdreg s17  }
0xb6: {  	[dreg:$0x4] =	wrdreg $0x9  }
0xb7: {  	_ =	task.clear_ibuf [dreg:s8], $0x5FFFF;
	_ =	strace $0x90000046  }
0xb8: {  	s29 =	simm.s32 $0x9;
	_ =	strace $0x80000048  }
0xb9: {  	_ =	swait.ge [sflag:s29], $0x1  }
0xba: {  	[sflag:s29] =	ssyncadd.s32 $0xFFFFFFFF  }
0xbb: {  	_ =	strace $0x90000048  }
0xbc: {  	_ =	sfence  }
0xbd: {  	s30 =	sld [smem:$0x0];
	_ =	sdelay $0x2  }
0xbe: {  	s31 =	sshll.u32 s1, $0xD;
	s1 =	sshrl.u32 s1, $0x2  }
0xbf: {  	s3 =	sand.u32 $0x4000, s31;
	s1 =	sadd.s32 s1, s30  }
0xc0: {  	s0 =	sor.u32 s3, s0;
	s1 =	sshll.u32 s1, $0x11  }
0xc1: {  	s0 =	sor.u32 s1, s0  }
0xc2: {  	s0 =	sadd.s32 $0x8F2B, s0  }
0xc3: {  	[sflag:s0] =	ssyncadd.remote.s32 $0x1  }
0xc4: {  	_ =	sfence.sel $0xFFFF  }
0xc5: {  	[dreg:$0x0] =	wrdreg $0xFFFFFFFF;
	(pc) =	sbr.abs _section_cstart, $3  }
0xc6: {  	[dreg:$0x1] =	wrdreg $0xFFFFFFFF  }
0xc7: {  	_ =	task.clear_ibuf [dreg:s8], $0x2FFFF;
	_ =	strace $0x9FFFFFFF  }
0xc8: {  	(tm) =	ssettm $0x7FFFFFFF  }
0xc9: {  	_ =	shalt  }
tec
execute0_lowered:
.L_overlay_start_1:
0x0: {  	(tag) =	ssettag $0x1  }
0x1: {  	s1 =	srdreg.scid;
	s0 =	stileid.u32  }
0x2: {  	s2 =	sand.u32 $0x1, s1;
	s14 =	sshll.u32 s0, $0x1  }
0x3: {  	s4 =	sor.u32 s2, s14  }
0x4: {  	s1 =	smul.u32 $0xC, s4  }
0x5: {  	s6 =	smul.u32 $0x24, s4  }
0x6: {  	s9 =	smul.u32 $0x24000, s4  }
0x7: {  	s23 =	smul.u32 $0x20004, s4  }
0x8: {  	s4 =	smul.u32 $0xC000, s4;
	s8 =	sor.u32 $0x1, s1  }
0x9: {  	s11 =	sor.u32 $0x2, s1;
	s15 =	smul.u32 $0x2AAB, s8  }
0xa: {  	s14 =	sor.u32 $0x3, s1;
	s13 =	sadd.s32 $0xAAAC, s23;
	s3 =	smul.u32 $0x2AAB, s11  }
0xb: {  	s10 =	smul.u32 $0x2AAB, s14;
	s13 =	sshrl.u32 s13, $0x10  }
0xc: {  	[dreg:$0x4] =	wrdreg s2;
	s24 =	smul.u32 $0x6, s13;
	s2 =	sshrl.u32 s15, $0x10  }
0xd: {  	s3 =	sshrl.u32 s3, $0x10;
	s5 =	smul.u32 $0x6, s2  }
0xe: {  	s7 =	smul.u32 $0x6, s3  }
0xf: {  	s18 =	rddreg [dreg:$0x0];
	s19 =	sshrl.u32 s10, $0x10;
	s3 =	smul.u32 $0x12, s3  }
0x10: {  	s28 =	rddreg [dreg:$0x1];
	s17 =	sadd.s32 s9, s18;
	s10 =	smul.u32 $0x6, s19  }
0x11: {  	s4 =	sadd.s32 s28, s4;
	s2 =	simm.s32 $0x0;
	s9 =	smul.u32 $0x12, s19  }
0x12: {  	s25 =	sadd.s32 $0xD557, s23;
	s19 =	smul.u32 $0x12, s13;
	[smem:$0x7FF] =	sst s2  }
0x13: {  	s5 =	ssub.s32 s8, s5;
	_ =	strace $0x80000047;
	s16 =	ssub.s32 s11, s7  }
0x14: {  	s7 =	sadd.s32 $0xC000, s17;
	s20 =	ssub.s32 s14, s10;
	s8 =	sshll.u32 s8, $0xC  }
0x15: {  	s11 =	sshll.u32 s11, $0xC;
	s14 =	sshll.u32 s14, $0xC;
	s5 =	sand.u32 $0xFFFF, s5  }
0x16: {  	[dreg:$0x3] =	wrdreg s7;
	s5 =	sadd.s32 s5, s6;
	s6 =	sadd.s32 $0xC, s16  }
0x17: {  	s21 =	sadd.s32 $0xC, s20;
	s7 =	rddreg [dreg:$0x3];
	s6 =	sand.u32 $0xFFFE, s6  }
0x18: {  	[tilespmem:s2], [sflag:$0x1] =	stream.linear.gather [hbm4b:s7+s2], $0x8000, $0x38;
	[tilespmem:$0x10000] =	vst v63  }
0x19: {  	s8 =	sadd.s32 s28, s8;
	s12 =	sadd.s32 s6, s3;
	s3 =	simm.s32 $0x1  }
0x1a: {  	s20 =	sshrl.u32 s25, $0x10;
	s5 =	sshll.u32 s5, $0xC;
	_ =	swait.ge [sflag:s3], $0x8000  }
0x1b: {  	s14 =	sadd.s32 s28, s14;
	s5 =	sadd.s32 $0xC000, s5;
	[sflag:s3] =	ssyncset.done $0x0  }
0x1c: {  	s22 =	sand.u32 $0xFFFF, s21;
	s5 =	sand.u32 $0x1FFFF000, s5;
	[sflag:s3] =	ssyncadd.s32 $0xFFFF8000  }
0x1d: {  	[hbm4b:s4+s2] =	stream.linear.scatter [tilespmem:s2], [sflag:$0x3], $0x8000, $0x38;
	[tilespmem:$0x10000] =	vst v63  }
0x1e: {  	s7 =	simm.s32 $0x2;
	s6 =	simm.s32 $0x8000;
	s5 =	sadd.s32 s18, s5  }
0x1f: {  	[tilespmem:s6], [sflag:$0x2] =	stream.linear.gather [hbm4b:s5+s2], $0x8000, $0x38;
	[tilespmem:$0x10000] =	vst v63  }
0x20: {  	s16 =	sadd.s32 $0x4, s1;
	s21 =	smov.u32 s18;
	_ =	swait.ge [sflag:s7], $0x8000  }
0x21: {  	s0 =	smul.u32 $0x6, s20;
	s15 =	sadd.s32 s22, s9;
	[sflag:s7] =	ssyncset.done $0x0  }
0x22: {  	s9 =	simm.s32 $0x3;
	s10 =	ssub.s32 s16, s24;
	[sflag:s7] =	ssyncadd.s32 $0xFFFF8000  }
0x23: {  	[hbm4b:s8+s2] =	stream.linear.scatter [tilespmem:s6], [sflag:$0x4], $0x8000, $0x38;
	[tilespmem:$0x10000] =	vst v63  }
0x24: {  	s22 =	smul.u32 $0x12, s20;
	s12 =	sshll.u32 s12, $0xC;
	_ =	swait.ge [sflag:s9], $0x8000  }
0x25: {  	s24 =	smov.u32 s21;
	s12 =	sand.u32 $0x1FFFE000, s12;
	[sflag:s9] =	ssyncset.done $0x0  }
0x26: {  	s17 =	sadd.s32 $0xC, s10;
	s10 =	sadd.s32 s18, s12;
	[sflag:s9] =	ssyncadd.s32 $0xFFFF8000  }
0x27: {  	[tilespmem:s2], [sflag:$0x1] =	stream.linear.gather [hbm4b:s10+s2], $0x8000, $0x38;
	[tilespmem:$0x10000] =	vst v63  }
0x28: {  	s16 =	sshll.u32 s16, $0xC;
	s15 =	sshll.u32 s15, $0xC;
	_ =	swait.ge [sflag:s3], $0x8000  }
0x29: {  	s16 =	sadd.s32 s28, s16;
	s26 =	sand.u32 $0x1FFFF000, s15;
	[sflag:s3] =	ssyncset.done $0x0  }
0x2a: {  	s12 =	sadd.s32 s28, s11;
	s11 =	simm.s32 $0x4;
	[sflag:s3] =	ssyncadd.s32 $0xFFFF8000  }
0x2b: {  	[hbm4b:s12+s2] =	stream.linear.scatter [tilespmem:s2], [sflag:$0x3], $0x8000, $0x38;
	[tilespmem:$0x10000] =	vst v63  }
0x2c: {  	s17 =	sand.u32 $0xFFFE, s17;
	s13 =	sadd.s32 s21, s26;
	_ =	swait.ge [sflag:s11], $0x8000  }
0x2d: {  	s17 =	sadd.s32 s17, s19;
	s18 =	sadd.s32 $0x5, s1;
	[sflag:s11] =	ssyncset.done $0x0  }
0x2e: {  	s26 =	sshll.u32 s17, $0xC;
	s15 =	ssub.s32 s18, s0;
	[sflag:s11] =	ssyncadd.s32 $0xFFFF8000  }
0x2f: {  	[tilespmem:s6], [sflag:$0x2] =	stream.linear.gather [hbm4b:s13+s2], $0x8000, $0x38;
	[tilespmem:$0x10000] =	vst v63  }
0x30: {  	s0 =	sadd.s32 $0x10002, s23;
	s18 =	sshll.u32 s18, $0xC;
	_ =	swait.ge [sflag:s7], $0x8000  }
0x31: {  	s15 =	sadd.s32 $0xC, s15;
	s17 =	sshrl.u32 s0, $0x10;
	[sflag:s7] =	ssyncset.done $0x0  }
0x32: {  	s18 =	sadd.s32 s28, s18;
	s25 =	sand.u32 $0xFFFF, s15;
	[sflag:s7] =	ssyncadd.s32 $0xFFFF8000  }
0x33: {  	[hbm4b:s14+s2] =	stream.linear.scatter [tilespmem:s6], [sflag:$0x4], $0x8000, $0x38;
	[tilespmem:$0x10000] =	vst v63  }
0x34: {  	s15 =	sand.u32 $0x1FFFE000, s26;
	s26 =	sadd.s32 $0x12AAD, s23;
	_ =	swait.ge [sflag:s9], $0x8000  }
0x35: {  	s15 =	sadd.s32 s21, s15;
	s19 =	sadd.s32 s25, s22;
	[sflag:s9] =	ssyncset.done $0x0  }
0x36: {  	s22 =	smul.u32 $0x6, s17;
	s21 =	sadd.s32 $0x6, s1;
	[sflag:s9] =	ssyncadd.s32 $0xFFFF8000  }
0x37: {  	[tilespmem:s2], [sflag:$0x1] =	stream.linear.gather [hbm4b:s15+s2], $0x8000, $0x38;
	[tilespmem:$0x10000] =	vst v63  }
0x38: {  	s25 =	sshll.u32 s19, $0xC;
	s19 =	sshrl.u32 s26, $0x10;
	_ =	swait.ge [sflag:s3], $0x8000  }
0x39: {  	s26 =	sadd.s32 $0x7, s1;
	s20 =	ssub.s32 s21, s22;
	[sflag:s3] =	ssyncset.done $0x0  }
0x3a: {  	s22 =	smul.u32 $0x12, s17;
	s17 =	sand.u32 $0x1FFFF000, s25;
	[sflag:s3] =	ssyncadd.s32 $0xFFFF8000  }
0x3b: {  	[hbm4b:s16+s2] =	stream.linear.scatter [tilespmem:s2], [sflag:$0x3], $0x8000, $0x38;
	[tilespmem:$0x10000] =	vst v63  }
0x3c: {  	s25 =	smov.u32 s24;
	s0 =	smul.u32 $0x6, s19;
	_ =	swait.ge [sflag:s11], $0x8000  }
0x3d: {  	s21 =	sshll.u32 s21, $0xC;
	s17 =	sadd.s32 s24, s17;
	[sflag:s11] =	ssyncset.done $0x0  }
0x3e: {  	s20 =	sadd.s32 $0xC, s20;
	s24 =	smul.u32 $0x12, s19;
	[sflag:s11] =	ssyncadd.s32 $0xFFFF8000  }
0x3f: {  	[tilespmem:s6], [sflag:$0x2] =	stream.linear.gather [hbm4b:s17+s2], $0x8000, $0x38;
	[tilespmem:$0x10000] =	vst v63  }
0x40: {  	s20 =	sand.u32 $0xFFFE, s20;
	s0 =	ssub.s32 s26, s0;
	_ =	swait.ge [sflag:s7], $0x8000  }
0x41: {  	s20 =	sadd.s32 s20, s22;
	s0 =	sadd.s32 $0xC, s0;
	[sflag:s7] =	ssyncset.done $0x0  }
0x42: {  	s22 =	sand.u32 $0xFFFF, s0;
	s20 =	sshll.u32 s20, $0xC;
	[sflag:s7] =	ssyncadd.s32 $0xFFFF8000  }
0x43: {  	[hbm4b:s18+s2] =	stream.linear.scatter [tilespmem:s6], [sflag:$0x4], $0x8000, $0x38;
	[tilespmem:$0x10000] =	vst v63  }
0x44: {  	s0 =	sadd.s32 $0x15558, s23;
	s19 =	sand.u32 $0x1FFFE000, s20;
	_ =	swait.ge [sflag:s9], $0x8000  }
0x45: {  	s30 =	sshrl.u32 s0, $0x10;
	s22 =	sadd.s32 s22, s24;
	[sflag:s9] =	ssyncset.done $0x0  }
0x46: {  	s24 =	sadd.s32 $0x8, s1;
	s19 =	sadd.s32 s25, s19;
	[sflag:s9] =	ssyncadd.s32 $0xFFFF8000  }
0x47: {  	[tilespmem:s2], [sflag:$0x1] =	stream.linear.gather [hbm4b:s19+s2], $0x8000, $0x38;
	[tilespmem:$0x10000] =	vst v63  }
0x48: {  	s0 =	sadd.s32 $0x18003, s23;
	s20 =	smul.u32 $0x6, s30;
	_ =	swait.ge [sflag:s3], $0x8000  }
0x49: {  	s30 =	smul.u32 $0x12, s30;
	s22 =	sshll.u32 s22, $0xC;
	[sflag:s3] =	ssyncset.done $0x0  }
0x4a: {  	s31 =	ssub.s32 s24, s20;
	s20 =	sadd.s32 s28, s21;
	[sflag:s3] =	ssyncadd.s32 $0xFFFF8000  }
0x4b: {  	[hbm4b:s20+s2] =	stream.linear.scatter [tilespmem:s2], [sflag:$0x3], $0x8000, $0x38;
	[tilespmem:$0x10000] =	vst v63  }
0x4c: {  	s21 =	sand.u32 $0x1FFFF000, s22;
	s22 =	sshrl.u32 s0, $0x10;
	_ =	swait.ge [sflag:s11], $0x8000  }
0x4d: {  	s21 =	sadd.s32 s25, s21;
	s31 =	sadd.s32 $0xC, s31;
	[sflag:s11] =	ssyncset.done $0x0  }
0x4e: {  	s25 =	smul.u32 $0x6, s22;
	s31 =	sand.u32 $0xFFFE, s31;
	[sflag:s11] =	ssyncadd.s32 $0xFFFF8000  }
0x4f: {  	[tilespmem:s6], [sflag:$0x2] =	stream.linear.gather [hbm4b:s21+s2], $0x8000, $0x38;
	[tilespmem:$0x10000] =	vst v63  }
0x50: {  	s29 =	sadd.s32 $0x9, s1;
	s30 =	sadd.s32 s31, s30;
	_ =	swait.ge [sflag:s7], $0x8000  }
0x51: {  	s0 =	ssub.s32 s29, s25;
	s25 =	sshll.u32 s26, $0xC;
	[sflag:s7] =	ssyncset.done $0x0  }
0x52: {  	s31 =	smul.u32 $0x12, s22;
	s22 =	sadd.s32 s28, s25;
	[sflag:s7] =	ssyncadd.s32 $0xFFFF8000  }
0x53: {  	[hbm4b:s22+s2] =	stream.linear.scatter [tilespmem:s6], [sflag:$0x4], $0x8000, $0x38;
	[tilespmem:$0x10000] =	vst v63  }
0x54: {  	_ =	swait.ge [sflag:s9], $0x8000  }
0x55: {  	s23 =	sadd.s32 $0x1AAAE, s23;
	s26 =	sshll.u32 s30, $0xC;
	[sflag:s9] =	ssyncset.done $0x0  }
0x56: {  	s30 =	sshrl.u32 s23, $0x10;
	s26 =	sand.u32 $0x1FFFE000, s26;
	s23 =	rddreg [dreg:$0x0]  }
0x57: {  	[sflag:s9] =	ssyncadd.s32 $0xFFFF8000;
	s23 =	sadd.s32 s23, s26  }
0x58: {  	[tilespmem:s2], [sflag:$0x1] =	stream.linear.gather [hbm4b:s23+s2], $0x8000, $0x38;
	[tilespmem:$0x10000] =	vst v63  }
0x59: {  	s24 =	sshll.u32 s24, $0xC;
	s0 =	sadd.s32 $0xC, s0;
	_ =	swait.ge [sflag:s3], $0x8000  }
0x5a: {  	s25 =	smov.u32 s28;
	s0 =	sand.u32 $0xFFFF, s0;
	[sflag:s3] =	ssyncset.done $0x0  }
0x5b: {  	s24 =	sadd.s32 s25, s24;
	s26 =	smul.u32 $0x6, s30;
	[sflag:s3] =	ssyncadd.s32 $0xFFFF8000  }
0x5c: {  	[hbm4b:s24+s2] =	stream.linear.scatter [tilespmem:s2], [sflag:$0x3], $0x8000, $0x38;
	[tilespmem:$0x10000] =	vst v63  }
0x5d: {  	s28 =	sadd.s32 $0xA, s1;
	s0 =	sadd.s32 s0, s31;
	_ =	swait.ge [sflag:s11], $0x8000  }
0x5e: {  	s0 =	sshll.u32 s0, $0xC;
	s26 =	ssub.s32 s28, s26;
	[sflag:s11] =	ssyncset.done $0x0  }
0x5f: {  	s0 =	sand.u32 $0x1FFFF000, s0;
	s31 =	sadd.s32 $0xC, s26;
	s26 =	rddreg [dreg:$0x0]  }
0x60: {  	[sflag:s11] =	ssyncadd.s32 $0xFFFF8000;
	s26 =	sadd.s32 s26, s0  }
0x61: {  	[tilespmem:s6], [sflag:$0x2] =	stream.linear.gather [hbm4b:s26+s2], $0x8000, $0x38;
	[tilespmem:$0x10000] =	vst v63  }
0x62: {  	s30 =	smul.u32 $0x12, s30;
	_ =	swait.ge [sflag:s7], $0x8000  }
0x63: {  	s29 =	sshll.u32 s29, $0xC;
	s0 =	sand.u32 $0xFFFE, s31;
	[sflag:s7] =	ssyncset.done $0x0  }
0x64: {  	s25 =	sadd.s32 $0xB, s1;
	s0 =	sadd.s32 s0, s30;
	s30 =	rddreg [dreg:$0x1]  }
0x65: {  	s1 =	smul.u32 $0x2AAB, s25;
	[sflag:s7] =	ssyncadd.s32 $0xFFFF8000;
	s30 =	sadd.s32 s30, s29  }
0x66: {  	[hbm4b:s30+s2] =	stream.linear.scatter [tilespmem:s6], [sflag:$0x4], $0x8000, $0x38;
	[tilespmem:$0x10000] =	vst v63  }
0x67: {  	s1 =	sshrl.u32 s1, $0x10;
	_ =	swait.ge [sflag:s9], $0x8000  }
0x68: {  	s0 =	sshll.u32 s0, $0xC;
	s29 =	smul.u32 $0x6, s1;
	[sflag:s9] =	ssyncset.done $0x0  }
0x69: {  	s0 =	sand.u32 $0x1FFFE000, s0;
	s31 =	rddreg [dreg:$0x0]  }
0x6a: {  	s29 =	ssub.s32 s25, s29;
	[sflag:s9] =	ssyncadd.s32 $0xFFFF8000;
	s31 =	sadd.s32 s31, s0  }
0x6b: {  	[tilespmem:s2], [sflag:$0x1] =	stream.linear.gather [hbm4b:s31+s2], $0x8000, $0x38;
	[tilespmem:$0x10000] =	vst v63  }
0x6c: {  	s0 =	smul.u32 $0x12, s1;
	s1 =	sadd.s32 $0xC, s29;
	_ =	swait.ge [sflag:s3], $0x8000  }
0x6d: {  	s1 =	sand.u32 $0xFFFF, s1;
	[sflag:s3] =	ssyncset.done $0x0  }
0x6e: {  	s28 =	sshll.u32 s28, $0xC;
	s0 =	sadd.s32 s1, s0;
	s1 =	rddreg [dreg:$0x1]  }
0x6f: {  	[sflag:s3] =	ssyncadd.s32 $0xFFFF8000;
	s1 =	sadd.s32 s1, s28  }
0x70: {  	[hbm4b:s1+s2] =	stream.linear.scatter [tilespmem:s2], [sflag:$0x3], $0x8000, $0x38;
	[tilespmem:$0x10000] =	vst v63  }
0x71: {  	_ =	swait.ge [sflag:s11], $0x8000  }
0x72: {  	s0 =	sshll.u32 s0, $0xC;
	[sflag:s11] =	ssyncset.done $0x0  }
0x73: {  	s0 =	sand.u32 $0x1FFFF000, s0;
	s28 =	rddreg [dreg:$0x0]  }
0x74: {  	[sflag:s11] =	ssyncadd.s32 $0xFFFF8000;
	s29 =	sadd.s32 s28, s0  }
0x75: {  	[tilespmem:s6], [sflag:$0x2] =	stream.linear.gather [hbm4b:s29+s2], $0x8000, $0x38;
	[tilespmem:$0x10000] =	vst v63  }
0x76: {  	_ =	swait.ge [sflag:s7], $0x8000  }
0x77: {  	[sflag:s7] =	ssyncset.done $0x0  }
0x78: {  	s0 =	sshll.u32 s25, $0xC;
	s25 =	rddreg [dreg:$0x1]  }
0x79: {  	s28 =	sadd.s32 s25, s0;
	s25 =	rddreg [dreg:$0x4]  }
0x7a: {  	[sflag:s7] =	ssyncadd.s32 $0xFFFF8000;
	s0 =	ssub.s32 $0x2, s25  }
0x7b: {  	[hbm4b:s28+s2] =	stream.linear.scatter [tilespmem:s6], [sflag:$0x4], $0x8000, $0x38;
	[tilespmem:$0x10000] =	vst v63  }
0x7c: {  	s25 =	sshrl.u32 s0, $0x1  }
0x7d: {  	s0 =	ssub.s32 s0, s25  }
0x7e: {  	s0 =	smax.u32 s0, $0x1  }
0x7f: {  	p0 =	sne.s32 s0, $0x1  }
.Ltmp0:
0x80: {  	_ =	swait.ge [sflag:s9], $0x8000;
	(pc) =	sbr.rel @!p0 .LBB2_2-.Ltmp0, $4  }
0x81: {  	[sflag:s9] =	ssyncset.done $0x0  }
0x82: {  	[sflag:s9] =	ssyncadd.s32 $0xFFFF8000  }
0x83: {  	_ =	swait.ge [sflag:s11], $0x8000  }
0x84: {  	s25 =	sadd.s32 $0xFFFFFFFF, s0;
	[sflag:s11] =	ssyncset.done $0x0  }
.LBB2_1:
0x85: {  	s0 =	rddreg [dreg:$0x3];
	[sflag:s11] =	ssyncadd.s32 $0xFFFF8000  }
0x86: {  	[tilespmem:s2], [sflag:$0x1] =	stream.linear.gather [hbm4b:s0+s2], $0x8000, $0x38;
	[tilespmem:$0x10000] =	vst v63  }
0x87: {  	_ =	swait.ge [sflag:s3], $0x8000  }
0x88: {  	[sflag:s3] =	ssyncset.done $0x0  }
0x89: {  	[sflag:s3] =	ssyncadd.s32 $0xFFFF8000  }
0x8a: {  	[hbm4b:s4+s2] =	stream.linear.scatter [tilespmem:s2], [sflag:$0x3], $0x8000, $0x38;
	[tilespmem:$0x10000] =	vst v63  }
0x8b: {  	_ = 	snop  }
0x8c: {  	[tilespmem:s6], [sflag:$0x2] =	stream.linear.gather [hbm4b:s5+s2], $0x8000, $0x38;
	[tilespmem:$0x10000] =	vst v63  }
0x8d: {  	_ =	swait.ge [sflag:s7], $0x8000  }
0x8e: {  	[sflag:s7] =	ssyncset.done $0x0  }
0x8f: {  	[sflag:s7] =	ssyncadd.s32 $0xFFFF8000  }
0x90: {  	[hbm4b:s8+s2] =	stream.linear.scatter [tilespmem:s6], [sflag:$0x4], $0x8000, $0x38;
	[tilespmem:$0x10000] =	vst v63  }
0x91: {  	_ =	swait.ge [sflag:s9], $0x8000  }
0x92: {  	[sflag:s9] =	ssyncset.done $0x0  }
0x93: {  	[sflag:s9] =	ssyncadd.s32 $0xFFFF8000  }
0x94: {  	[tilespmem:s2], [sflag:$0x1] =	stream.linear.gather [hbm4b:s10+s2], $0x8000, $0x38;
	[tilespmem:$0x10000] =	vst v63  }
0x95: {  	_ =	swait.ge [sflag:s3], $0x8000  }
0x96: {  	[sflag:s3] =	ssyncset.done $0x0  }
0x97: {  	[sflag:s3] =	ssyncadd.s32 $0xFFFF8000  }
0x98: {  	[hbm4b:s12+s2] =	stream.linear.scatter [tilespmem:s2], [sflag:$0x3], $0x8000, $0x38;
	[tilespmem:$0x10000] =	vst v63  }
0x99: {  	_ =	swait.ge [sflag:s11], $0x8000  }
0x9a: {  	[sflag:s11] =	ssyncset.done $0x0  }
0x9b: {  	[sflag:s11] =	ssyncadd.s32 $0xFFFF8000  }
0x9c: {  	[tilespmem:s6], [sflag:$0x2] =	stream.linear.gather [hbm4b:s13+s2], $0x8000, $0x38;
	[tilespmem:$0x10000] =	vst v63  }
0x9d: {  	_ =	swait.ge [sflag:s7], $0x8000  }
0x9e: {  	[sflag:s7] =	ssyncset.done $0x0  }
0x9f: {  	[sflag:s7] =	ssyncadd.s32 $0xFFFF8000  }
0xa0: {  	[hbm4b:s14+s2] =	stream.linear.scatter [tilespmem:s6], [sflag:$0x4], $0x8000, $0x38;
	[tilespmem:$0x10000] =	vst v63  }
0xa1: {  	_ =	swait.ge [sflag:s9], $0x8000  }
0xa2: {  	[sflag:s9] =	ssyncset.done $0x0  }
0xa3: {  	[sflag:s9] =	ssyncadd.s32 $0xFFFF8000  }
0xa4: {  	[tilespmem:s2], [sflag:$0x1] =	stream.linear.gather [hbm4b:s15+s2], $0x8000, $0x38;
	[tilespmem:$0x10000] =	vst v63  }
0xa5: {  	_ =	swait.ge [sflag:s3], $0x8000  }
0xa6: {  	[sflag:s3] =	ssyncset.done $0x0  }
0xa7: {  	[sflag:s3] =	ssyncadd.s32 $0xFFFF8000  }
0xa8: {  	[hbm4b:s16+s2] =	stream.linear.scatter [tilespmem:s2], [sflag:$0x3], $0x8000, $0x38;
	[tilespmem:$0x10000] =	vst v63  }
0xa9: {  	_ =	swait.ge [sflag:s11], $0x8000  }
0xaa: {  	[sflag:s11] =	ssyncset.done $0x0  }
0xab: {  	[sflag:s11] =	ssyncadd.s32 $0xFFFF8000  }
0xac: {  	[tilespmem:s6], [sflag:$0x2] =	stream.linear.gather [hbm4b:s17+s2], $0x8000, $0x38;
	[tilespmem:$0x10000] =	vst v63  }
0xad: {  	_ =	swait.ge [sflag:s7], $0x8000  }
0xae: {  	[sflag:s7] =	ssyncset.done $0x0  }
0xaf: {  	[sflag:s7] =	ssyncadd.s32 $0xFFFF8000  }
0xb0: {  	[hbm4b:s18+s2] =	stream.linear.scatter [tilespmem:s6], [sflag:$0x4], $0x8000, $0x38;
	[tilespmem:$0x10000] =	vst v63  }
0xb1: {  	_ =	swait.ge [sflag:s9], $0x8000  }
0xb2: {  	[sflag:s9] =	ssyncset.done $0x0  }
0xb3: {  	[sflag:s9] =	ssyncadd.s32 $0xFFFF8000  }
0xb4: {  	[tilespmem:s2], [sflag:$0x1] =	stream.linear.gather [hbm4b:s19+s2], $0x8000, $0x38;
	[tilespmem:$0x10000] =	vst v63  }
0xb5: {  	_ =	swait.ge [sflag:s3], $0x8000  }
0xb6: {  	[sflag:s3] =	ssyncset.done $0x0  }
0xb7: {  	[sflag:s3] =	ssyncadd.s32 $0xFFFF8000  }
0xb8: {  	[hbm4b:s20+s2] =	stream.linear.scatter [tilespmem:s2], [sflag:$0x3], $0x8000, $0x38;
	[tilespmem:$0x10000] =	vst v63  }
0xb9: {  	_ =	swait.ge [sflag:s11], $0x8000  }
0xba: {  	[sflag:s11] =	ssyncset.done $0x0  }
0xbb: {  	[sflag:s11] =	ssyncadd.s32 $0xFFFF8000  }
0xbc: {  	[tilespmem:s6], [sflag:$0x2] =	stream.linear.gather [hbm4b:s21+s2], $0x8000, $0x38;
	[tilespmem:$0x10000] =	vst v63  }
0xbd: {  	_ =	swait.ge [sflag:s7], $0x8000  }
0xbe: {  	[sflag:s7] =	ssyncset.done $0x0  }
0xbf: {  	[sflag:s7] =	ssyncadd.s32 $0xFFFF8000  }
0xc0: {  	[hbm4b:s22+s2] =	stream.linear.scatter [tilespmem:s6], [sflag:$0x4], $0x8000, $0x38;
	[tilespmem:$0x10000] =	vst v63  }
0xc1: {  	_ =	swait.ge [sflag:s9], $0x8000  }
0xc2: {  	[sflag:s9] =	ssyncset.done $0x0  }
0xc3: {  	[sflag:s9] =	ssyncadd.s32 $0xFFFF8000  }
0xc4: {  	[tilespmem:s2], [sflag:$0x1] =	stream.linear.gather [hbm4b:s23+s2], $0x8000, $0x38;
	[tilespmem:$0x10000] =	vst v63  }
0xc5: {  	_ =	swait.ge [sflag:s3], $0x8000  }
0xc6: {  	[sflag:s3] =	ssyncset.done $0x0  }
0xc7: {  	[sflag:s3] =	ssyncadd.s32 $0xFFFF8000  }
0xc8: {  	[hbm4b:s24+s2] =	stream.linear.scatter [tilespmem:s2], [sflag:$0x3], $0x8000, $0x38;
	[tilespmem:$0x10000] =	vst v63  }
0xc9: {  	_ =	swait.ge [sflag:s11], $0x8000  }
0xca: {  	[sflag:s11] =	ssyncset.done $0x0  }
0xcb: {  	[sflag:s11] =	ssyncadd.s32 $0xFFFF8000  }
0xcc: {  	[tilespmem:s6], [sflag:$0x2] =	stream.linear.gather [hbm4b:s26+s2], $0x8000, $0x38;
	[tilespmem:$0x10000] =	vst v63  }
0xcd: {  	_ =	swait.ge [sflag:s7], $0x8000  }
0xce: {  	[sflag:s7] =	ssyncset.done $0x0  }
0xcf: {  	[sflag:s7] =	ssyncadd.s32 $0xFFFF8000  }
0xd0: {  	[hbm4b:s30+s2] =	stream.linear.scatter [tilespmem:s6], [sflag:$0x4], $0x8000, $0x38;
	[tilespmem:$0x10000] =	vst v63  }
0xd1: {  	_ =	swait.ge [sflag:s9], $0x8000  }
0xd2: {  	[sflag:s9] =	ssyncset.done $0x0  }
0xd3: {  	[sflag:s9] =	ssyncadd.s32 $0xFFFF8000  }
0xd4: {  	[tilespmem:s2], [sflag:$0x1] =	stream.linear.gather [hbm4b:s31+s2], $0x8000, $0x38;
	[tilespmem:$0x10000] =	vst v63  }
0xd5: {  	_ =	swait.ge [sflag:s3], $0x8000  }
0xd6: {  	[sflag:s3] =	ssyncset.done $0x0  }
0xd7: {  	[sflag:s3] =	ssyncadd.s32 $0xFFFF8000  }
0xd8: {  	[hbm4b:s1+s2] =	stream.linear.scatter [tilespmem:s2], [sflag:$0x3], $0x8000, $0x38;
	[tilespmem:$0x10000] =	vst v63  }
0xd9: {  	_ =	swait.ge [sflag:s11], $0x8000  }
0xda: {  	[sflag:s11] =	ssyncset.done $0x0  }
0xdb: {  	[sflag:s11] =	ssyncadd.s32 $0xFFFF8000  }
0xdc: {  	[tilespmem:s6], [sflag:$0x2] =	stream.linear.gather [hbm4b:s29+s2], $0x8000, $0x38;
	[tilespmem:$0x10000] =	vst v63  }
0xdd: {  	_ =	swait.ge [sflag:s7], $0x8000  }
0xde: {  	[sflag:s7] =	ssyncset.done $0x0  }
0xdf: {  	p0 =	sne.s32 s25, $0x1;
	[sflag:s7] =	ssyncadd.s32 $0xFFFF8000  }
0xe0: {  	[hbm4b:s28+s2] =	stream.linear.scatter [tilespmem:s6], [sflag:$0x4], $0x8000, $0x38;
	[tilespmem:$0x10000] =	vst v63  }
.Ltmp1:
0xe1: {  	_ =	swait.ge [sflag:s9], $0x8000;
	(pc) =	sbr.rel @p0 .LBB2_1-.Ltmp1, $4  }
0xe2: {  	[sflag:s9] =	ssyncset.done $0x0  }
0xe3: {  	[sflag:s9] =	ssyncadd.s32 $0xFFFF8000  }
0xe4: {  	_ =	swait.ge [sflag:s11], $0x8000  }
0xe5: {  	s25 =	sadd.s32 $0xFFFFFFFF, s25;
	[sflag:s11] =	ssyncset.done $0x0  }
.LBB2_2:
0xe6: {  	[sflag:s11] =	ssyncadd.s32 $0xFFFF8000  }
0xe7: {  	_ =	sfence.sel $0x180000  }
0xe8: {  	[bflag:$0x0] =	sbarrier.arrive $0xFFFF  }
0xe9: {  	_ =	strace $0x90000047  }
0xea: {  	s0 =	stileid.u32;
	[bflag:$0x2] =	sbarrier.arrive $0xFFFF  }
0xeb: {  	p0 =	sne.s32 s0, $0x0;
	s0 =	rddreg [dreg:$0x2]  }
0xec: {  	s0 =	sadd.s32 @!p0 $0x100000, s0  }
0xed: {  	[sflag:s0] =	ssyncadd.tile.s32 @!p0 $0x1;
	_ =	shalt  }
.Lfunc_end2:
_tile_overlayer_lowered:
.L_overlay_start_2:
0xee: {  	(tag) =	ssettag $0x2  }
0xef: {  	s0 =	rddreg [dreg:$0x0];
	s2 =	stileid.u32  }
0xf0: {  	s1 =	rddreg [dreg:$0x1];
	p0 =	sne.s32 s2, $0x0  }
0xf1: {  	s3 =	rddreg [dreg:$0x2];
	[bflag:$0x3] =	sbarrier.arrive $0xFFFF;
	s2 =	simm.s32 @!p0 $0x1C05  }
0xf2: {  	[timem:s3], [sflag:s2] =	dma.local @!p0 [hbm:s0], s1  }
0xf3: {  	s0 =	simm.s32 @!p0 $0x5  }
0xf4: {  	_ =	swait.ge @!p0 [sflag:s0], s1  }
0xf5: {  	s1 =	ssub.s32 @!p0 $0x0, s1;
	[sflag:s0] =	ssyncset.done @!p0 $0x0  }
0xf6: {  	[sflag:s0] =	ssyncadd.s32 @!p0 s1  }
0xf7: {  	[bflag:$0x3] =	sbarrier.arrive $0xFFFF  }
0xf8: {  	_ =	shalt  }

</sc_bundles>
